<compile_context>
chip_gen: v7x
topology: tpu7x:2x2x1
jax: 0.10.2.dev20260603
libtpu: 0.0.44.dev20260713+nightly
codegen_flags: <defaults>
</compile_context>

<pallas_src>
import functools

import jax
import jax.numpy as jnp
from jax import lax
from jax.experimental import pallas as pl
from jax.experimental.pallas import tpu as pltpu
from jax.experimental.pallas import tpu_sc as plsc

_HI_BINS = (8, 16, 32, 64)
_DIM = 128
_NUM_EMB = 9
_B = 16384
_NC = 2
_NS = 16
_NW = _NC * _NS
_B_PER_W = _B // _NW
_CHUNK = 64
_NCHUNK = _B_PER_W // _CHUNK

_mesh = plsc.VectorSubcoreMesh(core_axis_name="c", subcore_axis_name="s")


@functools.partial(
    pl.kernel,
    out_type=jax.ShapeDtypeStruct((_B, _DIM), jnp.float32),
    mesh=_mesh,
    scratch_types=[
        pltpu.VMEM((_NUM_EMB, _DIM), jnp.float32),
        pltpu.VMEM_SHARED((_NUM_EMB, _DIM), jnp.float32),
        pltpu.VMEM((_B_PER_W,), jnp.int32),
        pltpu.VMEM((_NCHUNK, _CHUNK), jnp.int32),
        pltpu.VMEM((_B_PER_W, _DIM), jnp.float32),
        pltpu.SemaphoreType.DMA,
        pltpu.SemaphoreType.DMA,
        pltpu.SemaphoreType.DMA,
        pltpu.SemaphoreType.DMA,
        pltpu.SemaphoreType.DMA,
        pltpu.SemaphoreType.DMA,
        pltpu.SemaphoreType.DMA,
        pltpu.SemaphoreType.DMA,
        pltpu.SemaphoreType.DMA,
        pltpu.SemaphoreType.DMA,
        pltpu.SemaphoreType.DMA,
    ],
)
def _distance_sc(lengths_hbm, table_hbm, out_hbm,
                 tab_v, tab_sh, len_v, idx_v, rows_v,
                 tsem, g0, g1, g2, g3, g4, g5, g6, g7, osem, lsem):
    gsems = (g0, g1, g2, g3, g4, g5, g6, g7)
    sid = lax.axis_index("s")
    wid = sid * _NC + lax.axis_index("c")
    base = wid * _B_PER_W

    @pl.when(sid == 0)
    def _():
        pltpu.async_copy(table_hbm, tab_v, tsem)

    tail = pltpu.async_copy(
        lengths_hbm.at[pl.ds(base + _CHUNK, _B_PER_W - _CHUNK)],
        len_v.at[pl.ds(_CHUNK, _B_PER_W - _CHUNK)], lsem)
    pltpu.sync_copy(lengths_hbm.at[pl.ds(base, _CHUNK)],
                    len_v.at[pl.ds(0, _CHUNK)])

    ones = jnp.full((16,), 1, jnp.int32)
    zeros = jnp.full((16,), 0, jnp.int32)
    four = jnp.full((16,), 4, jnp.int32)

    def compute_chunk(j):
        for k in range(_CHUNK // 16):
            v = len_v[pl.ds(j * _CHUNK + k * 16, 16)]
            acc = jnp.minimum(jnp.maximum(v, zeros), four)
            for b in _HI_BINS:
                acc = acc + jnp.where(v >= jnp.full((16,), b, jnp.int32),
                                      ones, zeros)
            idx_v[j, pl.ds(k * 16, 16)] = acc

    compute_chunk(0)

    @pl.when(sid == 0)
    def _():
        pltpu.make_async_copy(table_hbm, tab_v, tsem).wait()
        pltpu.sync_copy(tab_v, tab_sh)

    tail.wait()
    plsc.subcore_barrier()

    gathers = []
    for j in range(_NCHUNK):
        gathers.append(
            pltpu.async_copy(tab_sh.at[idx_v.at[j]],
                             rows_v.at[pl.ds(j * _CHUNK, _CHUNK)], gsems[j]))
        if j + 1 < _NCHUNK:
            compute_chunk(j + 1)

    outs = []
    for j in range(_NCHUNK):
        gathers[j].wait()
        outs.append(
            pltpu.async_copy(
                rows_v.at[pl.ds(j * _CHUNK, _CHUNK)],
                out_hbm.at[pl.ds(base + j * _CHUNK, _CHUNK)],
                osem))
    for c in outs:
        c.wait()


def kernel(lengths, table):
    return _distance_sc(lengths, table)

# --- scband reference (transcript-rebuilt; emitter-appended) ---
"""Pipeline reference for scband-distance-7086696038801 (READ-ONLY COPY).

The authoritative reference and input builder live on the scoring server;
editing this copy changes nothing except your own understanding.
"""

import jax, jax.numpy as jnp
import numpy as np

BINS = jnp.array([1, 2, 3, 4, 8, 16, 32, 64], dtype=jnp.int32)
DIM = 128
NUM_EMB = 9  # len(bins) + 1


def setup_inputs(seed: int = 0) -> dict:
    key = jax.random.key(seed)
    k1, k2 = jax.random.split(key)
    lengths = jax.random.randint(k1, (16384,), 0, 200)
    table = jax.random.normal(k2, (NUM_EMB, DIM), dtype=jnp.float32)
    return {"lengths": lengths, "table": table}


def reference(lengths, table):
    # stoi: bin index = number of bins b with num >= b
    idx = jnp.sum(lengths[:, None] >= BINS[None, :], axis=1)
    # Embedding lookup (Dropout is identity in eval mode)
    return jnp.take(table, idx, axis=0)

if __name__ == "__main__":
    import jax
    _d = setup_inputs()
    print(jax.jit(kernel)(*tuple(_d.values())))

</pallas_src>

<mosaic_0001>
#map = affine_map<(d0, d1) -> (0)>
#map1 = affine_map<(d0, d1) -> (0, 0)>
module attributes {stable_mosaic.version = 14 : i64} {
  func.func @_distance_sc(%arg0: i32, %arg1: i32, %arg2: memref<16384xi32, #tpu.memory_space<hbm>>, %arg3: memref<9x128xf32, #tpu.memory_space<hbm>>, %arg4: memref<16384x128xf32, #tpu.memory_space<hbm>>, %arg5: memref<9x128xf32, #tpu.memory_space<vmem>>, %arg6: memref<9x128xf32, #tpu.memory_space<vmem_shared>>, %arg7: memref<512xi32, #tpu.memory_space<vmem>>, %arg8: memref<8x64xi32, #tpu.memory_space<vmem>>, %arg9: memref<512x128xf32, #tpu.memory_space<vmem>>, %arg10: memref<!tpu.dma_semaphore, #tpu.memory_space<semaphore_mem>>, %arg11: memref<!tpu.dma_semaphore, #tpu.memory_space<semaphore_mem>>, %arg12: memref<!tpu.dma_semaphore, #tpu.memory_space<semaphore_mem>>, %arg13: memref<!tpu.dma_semaphore, #tpu.memory_space<semaphore_mem>>, %arg14: memref<!tpu.dma_semaphore, #tpu.memory_space<semaphore_mem>>, %arg15: memref<!tpu.dma_semaphore, #tpu.memory_space<semaphore_mem>>, %arg16: memref<!tpu.dma_semaphore, #tpu.memory_space<semaphore_mem>>, %arg17: memref<!tpu.dma_semaphore, #tpu.memory_space<semaphore_mem>>, %arg18: memref<!tpu.dma_semaphore, #tpu.memory_space<semaphore_mem>>, %arg19: memref<!tpu.dma_semaphore, #tpu.memory_space<semaphore_mem>>, %arg20: memref<!tpu.dma_semaphore, #tpu.memory_space<semaphore_mem>>) attributes {dimension_semantics = [#tpu.dimension_semantics<core_parallel>, #tpu.dimension_semantics<subcore_parallel>], iteration_bounds = array<i64: 2, 16>, scalar_prefetch = 0 : i64, scratch_operands = 16 : i64, tpu.core_type = #tpu.core_type<sc_vector_subcore>, window_params = [{transform_indices = #map}, {transform_indices = #map1}, {transform_indices = #map1}]} {
    %mul3A = arith.constant 2 : i32
    %mul3A_0 = arith.muli %arg1, %mul3A : i32
    %add3A = arith.addi %mul3A_0, %arg0 : i32
    %mul3A_1 = arith.constant 512 : i32
    %mul3A_2 = arith.muli %add3A, %mul3A_1 : i32
    %eq3A = arith.constant 0 : i32
    %eq3A_3 = arith.cmpi eq, %arg1, %eq3A : i32
    %convert_element_type3A = arith.extui %eq3A_3 : i1 to i32
    %cond3A = arith.constant 0 : i32
    %cond3A_4 = arith.cmpi ne, %convert_element_type3A, %cond3A : i32
    scf.if %cond3A_4 {
      tpu.enqueue_dma source(%arg3 : memref<9x128xf32, #tpu.memory_space<hbm>>) target(%arg5 : memref<9x128xf32, #tpu.memory_space<vmem>>) target_semaphore(%arg10 : memref<!tpu.dma_semaphore, #tpu.memory_space<semaphore_mem>>)
    } else {
    }
    %add3A_5 = arith.constant 64 : i32
    %add3A_6 = arith.addi %mul3A_2, %add3A_5 : i32
    %dma_start3A = arith.constant 64 : i32
    %dma_start3A_7 = tpu.memref_slice %arg7[%dma_start3A] : memref<512xi32, #tpu.memory_space<vmem>> -> memref<448xi32, #tpu.memory_space<vmem>>
    %dma_start3A_8 = tpu.memref_slice %arg2[%add3A_6] : memref<16384xi32, #tpu.memory_space<hbm>> -> memref<448xi32, #tpu.memory_space<hbm>>
    %dma_start3A_9 = arith.constant 64 : i32
    %dma_start3A_10 = tpu.memref_slice %arg7[%dma_start3A_9] : memref<512xi32, #tpu.memory_space<vmem>> -> memref<448xi32, #tpu.memory_space<vmem>>
    %dma_start3A_11 = tpu.memref_slice %arg2[%add3A_6] : memref<16384xi32, #tpu.memory_space<hbm>> -> memref<448xi32, #tpu.memory_space<hbm>>
    tpu.enqueue_dma source(%dma_start3A_11 : memref<448xi32, #tpu.memory_space<hbm>>) target(%dma_start3A_10 : memref<448xi32, #tpu.memory_space<vmem>>) target_semaphore(%arg20 : memref<!tpu.dma_semaphore, #tpu.memory_space<semaphore_mem>>)
    "tpu.region"() ({
      %run_scoped3A = tpu.sem_alloc : memref<!tpu.dma_semaphore, #tpu.memory_space<semaphore_mem>>
      %dma_start3A_1349 = arith.constant 0 : i32
      %dma_start3A_1350 = tpu.memref_slice %arg7[%dma_start3A_1349] : memref<512xi32, #tpu.memory_space<vmem>> -> memref<64xi32, #tpu.memory_space<vmem>>
      %dma_start3A_1351 = tpu.memref_slice %arg2[%mul3A_2] : memref<16384xi32, #tpu.memory_space<hbm>> -> memref<64xi32, #tpu.memory_space<hbm>>
      %dma_start3A_1352 = arith.constant 0 : i32
      %dma_start3A_1353 = tpu.memref_slice %arg7[%dma_start3A_1352] : memref<512xi32, #tpu.memory_space<vmem>> -> memref<64xi32, #tpu.memory_space<vmem>>
      %dma_start3A_1354 = tpu.memref_slice %arg2[%mul3A_2] : memref<16384xi32, #tpu.memory_space<hbm>> -> memref<64xi32, #tpu.memory_space<hbm>>
      tpu.enqueue_dma source(%dma_start3A_1354 : memref<64xi32, #tpu.memory_space<hbm>>) target(%dma_start3A_1353 : memref<64xi32, #tpu.memory_space<vmem>>) target_semaphore(%run_scoped3A : memref<!tpu.dma_semaphore, #tpu.memory_space<semaphore_mem>>)
      %dma_wait3A_1355 = arith.constant 0 : i32
      %dma_wait3A_1356 = tpu.memref_slice %arg7[%dma_wait3A_1355] : memref<512xi32, #tpu.memory_space<vmem>> -> memref<64xi32, #tpu.memory_space<vmem>>
      %dma_wait3A_1357 = tpu.memref_slice %arg2[%mul3A_2] : memref<16384xi32, #tpu.memory_space<hbm>> -> memref<64xi32, #tpu.memory_space<hbm>>
      %dma_wait3A_1358 = arith.constant 0 : i32
      %dma_wait3A_1359 = tpu.memref_slice %arg7[%dma_wait3A_1358] : memref<512xi32, #tpu.memory_space<vmem>> -> memref<64xi32, #tpu.memory_space<vmem>>
      %dma_wait3A_1360 = tpu.memref_slice %arg2[%mul3A_2] : memref<16384xi32, #tpu.memory_space<hbm>> -> memref<64xi32, #tpu.memory_space<hbm>>
      tpu.wait_dma2 semaphore(%run_scoped3A : memref<!tpu.dma_semaphore, #tpu.memory_space<semaphore_mem>>) src(%dma_wait3A_1360 : memref<64xi32, #tpu.memory_space<hbm>>) dst(%dma_wait3A_1359 : memref<64xi32, #tpu.memory_space<vmem>>)
      tpu.yield
    }) : () -> ()
    %broadcast_in_dim3A = arith.constant 1 : i32
    %broadcast_in_dim3A_12 = vector.broadcast %broadcast_in_dim3A : i32 to vector<16xi32>
    %broadcast_in_dim3A_13 = arith.constant 0 : i32
    %broadcast_in_dim3A_14 = vector.broadcast %broadcast_in_dim3A_13 : i32 to vector<16xi32>
    %broadcast_in_dim3A_15 = arith.constant 4 : i32
    %broadcast_in_dim3A_16 = vector.broadcast %broadcast_in_dim3A_15 : i32 to vector<16xi32>
    %get3A = arith.constant 0 : index
    %get3A_17 = tpu.vector_load %arg7[%get3A] {strides = array<i32>} : memref<512xi32, #tpu.memory_space<vmem>>, vector<16xi32>,
    %get3A_18 = vector.shape_cast %get3A_17 : vector<16xi32> to vector<16xi32>
    %max3A = arith.maxsi %get3A_18, %broadcast_in_dim3A_14 : vector<16xi32>
    %min3A = arith.minsi %max3A, %broadcast_in_dim3A_16 : vector<16xi32>
    %broadcast_in_dim3A_19 = arith.constant 8 : i32
    %broadcast_in_dim3A_20 = vector.broadcast %broadcast_in_dim3A_19 : i32 to vector<16xi32>
    %ge3A = arith.cmpi sge, %get3A_18, %broadcast_in_dim3A_20 : vector<16xi32>
    %select_n3A = arith.select %ge3A, %broadcast_in_dim3A_12, %broadcast_in_dim3A_14 : vector<16xi1>, vector<16xi32>
    %add3A_21 = arith.addi %min3A, %select_n3A : vector<16xi32>
    %broadcast_in_dim3A_22 = arith.constant 16 : i32
    %broadcast_in_dim3A_23 = vector.broadcast %broadcast_in_dim3A_22 : i32 to vector<16xi32>
    %ge3A_24 = arith.cmpi sge, %get3A_18, %broadcast_in_dim3A_23 : vector<16xi32>
    %select_n3A_25 = arith.select %ge3A_24, %broadcast_in_dim3A_12, %broadcast_in_dim3A_14 : vector<16xi1>, vector<16xi32>
    %add3A_26 = arith.addi %add3A_21, %select_n3A_25 : vector<16xi32>
    %broadcast_in_dim3A_27 = arith.constant 32 : i32
    %broadcast_in_dim3A_28 = vector.broadcast %broadcast_in_dim3A_27 : i32 to vector<16xi32>
    %ge3A_29 = arith.cmpi sge, %get3A_18, %broadcast_in_dim3A_28 : vector<16xi32>
    %select_n3A_30 = arith.select %ge3A_29, %broadcast_in_dim3A_12, %broadcast_in_dim3A_14 : vector<16xi1>, vector<16xi32>
    %add3A_31 = arith.addi %add3A_26, %select_n3A_30 : vector<16xi32>
    %broadcast_in_dim3A_32 = arith.constant 64 : i32
    %broadcast_in_dim3A_33 = vector.broadcast %broadcast_in_dim3A_32 : i32 to vector<16xi32>
    %ge3A_34 = arith.cmpi sge, %get3A_18, %broadcast_in_dim3A_33 : vector<16xi32>
    %select_n3A_35 = arith.select %ge3A_34, %broadcast_in_dim3A_12, %broadcast_in_dim3A_14 : vector<16xi1>, vector<16xi32>
    %add3A_36 = arith.addi %add3A_31, %select_n3A_35 : vector<16xi32>
    %swap3A = arith.constant 0 : i32
    %swap3A_37 = arith.index_cast %swap3A : i32 to index
    %swap3A_38 = arith.constant 0 : index
    %swap3A_39 = tpu.vector_load %arg8[%swap3A_37, %swap3A_38] {strides = array<i32>} : memref<8x64xi32, #tpu.memory_space<vmem>>, vector<1x16xi32>,
    %swap3A_40 = vector.shape_cast %swap3A_39 : vector<1x16xi32> to vector<16xi32>
    %swap3A_41 = vector.shape_cast %add3A_36 : vector<16xi32> to vector<1x16xi32>
    tpu.vector_store %arg8[%swap3A_37, %swap3A_38], %swap3A_41 {strides = array<i32>} : memref<8x64xi32, #tpu.memory_space<vmem>>, vector<1x16xi32>,
    %get3A_42 = arith.constant 16 : index
    %get3A_43 = tpu.vector_load %arg7[%get3A_42] {strides = array<i32>} : memref<512xi32, #tpu.memory_space<vmem>>, vector<16xi32>,
    %get3A_44 = vector.shape_cast %get3A_43 : vector<16xi32> to vector<16xi32>
    %max3A_45 = arith.maxsi %get3A_44, %broadcast_in_dim3A_14 : vector<16xi32>
    %min3A_46 = arith.minsi %max3A_45, %broadcast_in_dim3A_16 : vector<16xi32>
    %broadcast_in_dim3A_47 = arith.constant 8 : i32
    %broadcast_in_dim3A_48 = vector.broadcast %broadcast_in_dim3A_47 : i32 to vector<16xi32>
    %ge3A_49 = arith.cmpi sge, %get3A_44, %broadcast_in_dim3A_48 : vector<16xi32>
    %select_n3A_50 = arith.select %ge3A_49, %broadcast_in_dim3A_12, %broadcast_in_dim3A_14 : vector<16xi1>, vector<16xi32>
    %add3A_51 = arith.addi %min3A_46, %select_n3A_50 : vector<16xi32>
    %broadcast_in_dim3A_52 = arith.constant 16 : i32
    %broadcast_in_dim3A_53 = vector.broadcast %broadcast_in_dim3A_52 : i32 to vector<16xi32>
    %ge3A_54 = arith.cmpi sge, %get3A_44, %broadcast_in_dim3A_53 : vector<16xi32>
    %select_n3A_55 = arith.select %ge3A_54, %broadcast_in_dim3A_12, %broadcast_in_dim3A_14 : vector<16xi1>, vector<16xi32>
    %add3A_56 = arith.addi %add3A_51, %select_n3A_55 : vector<16xi32>
    %broadcast_in_dim3A_57 = arith.constant 32 : i32
    %broadcast_in_dim3A_58 = vector.broadcast %broadcast_in_dim3A_57 : i32 to vector<16xi32>
    %ge3A_59 = arith.cmpi sge, %get3A_44, %broadcast_in_dim3A_58 : vector<16xi32>
    %select_n3A_60 = arith.select %ge3A_59, %broadcast_in_dim3A_12, %broadcast_in_dim3A_14 : vector<16xi1>, vector<16xi32>
    %add3A_61 = arith.addi %add3A_56, %select_n3A_60 : vector<16xi32>
    %broadcast_in_dim3A_62 = arith.constant 64 : i32
    %broadcast_in_dim3A_63 = vector.broadcast %broadcast_in_dim3A_62 : i32 to vector<16xi32>
    %ge3A_64 = arith.cmpi sge, %get3A_44, %broadcast_in_dim3A_63 : vector<16xi32>
    %select_n3A_65 = arith.select %ge3A_64, %broadcast_in_dim3A_12, %broadcast_in_dim3A_14 : vector<16xi1>, vector<16xi32>
    %add3A_66 = arith.addi %add3A_61, %select_n3A_65 : vector<16xi32>
    %swap3A_67 = arith.constant 0 : i32
    %swap3A_68 = arith.index_cast %swap3A_67 : i32 to index
    %swap3A_69 = arith.constant 16 : index
    %swap3A_70 = tpu.vector_load %arg8[%swap3A_68, %swap3A_69] {strides = array<i32>} : memref<8x64xi32, #tpu.memory_space<vmem>>, vector<1x16xi32>,
    %swap3A_71 = vector.shape_cast %swap3A_70 : vector<1x16xi32> to vector<16xi32>
    %swap3A_72 = vector.shape_cast %add3A_66 : vector<16xi32> to vector<1x16xi32>
    tpu.vector_store %arg8[%swap3A_68, %swap3A_69], %swap3A_72 {strides = array<i32>} : memref<8x64xi32, #tpu.memory_space<vmem>>, vector<1x16xi32>,
    %get3A_73 = arith.constant 32 : index
    %get3A_74 = tpu.vector_load %arg7[%get3A_73] {strides = array<i32>} : memref<512xi32, #tpu.memory_space<vmem>>, vector<16xi32>,
    %get3A_75 = vector.shape_cast %get3A_74 : vector<16xi32> to vector<16xi32>
    %max3A_76 = arith.maxsi %get3A_75, %broadcast_in_dim3A_14 : vector<16xi32>
    %min3A_77 = arith.minsi %max3A_76, %broadcast_in_dim3A_16 : vector<16xi32>
    %broadcast_in_dim3A_78 = arith.constant 8 : i32
    %broadcast_in_dim3A_79 = vector.broadcast %broadcast_in_dim3A_78 : i32 to vector<16xi32>
    %ge3A_80 = arith.cmpi sge, %get3A_75, %broadcast_in_dim3A_79 : vector<16xi32>
    %select_n3A_81 = arith.select %ge3A_80, %broadcast_in_dim3A_12, %broadcast_in_dim3A_14 : vector<16xi1>, vector<16xi32>
    %add3A_82 = arith.addi %min3A_77, %select_n3A_81 : vector<16xi32>
    %broadcast_in_dim3A_83 = arith.constant 16 : i32
    %broadcast_in_dim3A_84 = vector.broadcast %broadcast_in_dim3A_83 : i32 to vector<16xi32>
    %ge3A_85 = arith.cmpi sge, %get3A_75, %broadcast_in_dim3A_84 : vector<16xi32>
    %select_n3A_86 = arith.select %ge3A_85, %broadcast_in_dim3A_12, %broadcast_in_dim3A_14 : vector<16xi1>, vector<16xi32>
    %add3A_87 = arith.addi %add3A_82, %select_n3A_86 : vector<16xi32>
    %broadcast_in_dim3A_88 = arith.constant 32 : i32
    %broadcast_in_dim3A_89 = vector.broadcast %broadcast_in_dim3A_88 : i32 to vector<16xi32>
    %ge3A_90 = arith.cmpi sge, %get3A_75, %broadcast_in_dim3A_89 : vector<16xi32>
    %select_n3A_91 = arith.select %ge3A_90, %broadcast_in_dim3A_12, %broadcast_in_dim3A_14 : vector<16xi1>, vector<16xi32>
    %add3A_92 = arith.addi %add3A_87, %select_n3A_91 : vector<16xi32>
    %broadcast_in_dim3A_93 = arith.constant 64 : i32
    %broadcast_in_dim3A_94 = vector.broadcast %broadcast_in_dim3A_93 : i32 to vector<16xi32>
    %ge3A_95 = arith.cmpi sge, %get3A_75, %broadcast_in_dim3A_94 : vector<16xi32>
    %select_n3A_96 = arith.select %ge3A_95, %broadcast_in_dim3A_12, %broadcast_in_dim3A_14 : vector<16xi1>, vector<16xi32>
    %add3A_97 = arith.addi %add3A_92, %select_n3A_96 : vector<16xi32>
    %swap3A_98 = arith.constant 0 : i32
    %swap3A_99 = arith.index_cast %swap3A_98 : i32 to index
    %swap3A_100 = arith.constant 32 : index
    %swap3A_101 = tpu.vector_load %arg8[%swap3A_99, %swap3A_100] {strides = array<i32>} : memref<8x64xi32, #tpu.memory_space<vmem>>, vector<1x16xi32>,
    %swap3A_102 = vector.shape_cast %swap3A_101 : vector<1x16xi32> to vector<16xi32>
    %swap3A_103 = vector.shape_cast %add3A_97 : vector<16xi32> to vector<1x16xi32>
    tpu.vector_store %arg8[%swap3A_99, %swap3A_100], %swap3A_103 {strides = array<i32>} : memref<8x64xi32, #tpu.memory_space<vmem>>, vector<1x16xi32>,
    %get3A_104 = arith.constant 48 : index
    %get3A_105 = tpu.vector_load %arg7[%get3A_104] {strides = array<i32>} : memref<512xi32, #tpu.memory_space<vmem>>, vector<16xi32>,
    %get3A_106 = vector.shape_cast %get3A_105 : vector<16xi32> to vector<16xi32>
    %max3A_107 = arith.maxsi %get3A_106, %broadcast_in_dim3A_14 : vector<16xi32>
    %min3A_108 = arith.minsi %max3A_107, %broadcast_in_dim3A_16 : vector<16xi32>
    %broadcast_in_dim3A_109 = arith.constant 8 : i32
    %broadcast_in_dim3A_110 = vector.broadcast %broadcast_in_dim3A_109 : i32 to vector<16xi32>
    %ge3A_111 = arith.cmpi sge, %get3A_106, %broadcast_in_dim3A_110 : vector<16xi32>
    %select_n3A_112 = arith.select %ge3A_111, %broadcast_in_dim3A_12, %broadcast_in_dim3A_14 : vector<16xi1>, vector<16xi32>
    %add3A_113 = arith.addi %min3A_108, %select_n3A_112 : vector<16xi32>
    %broadcast_in_dim3A_114 = arith.constant 16 : i32
    %broadcast_in_dim3A_115 = vector.broadcast %broadcast_in_dim3A_114 : i32 to vector<16xi32>
    %ge3A_116 = arith.cmpi sge, %get3A_106, %broadcast_in_dim3A_115 : vector<16xi32>
    %select_n3A_117 = arith.select %ge3A_116, %broadcast_in_dim3A_12, %broadcast_in_dim3A_14 : vector<16xi1>, vector<16xi32>
    %add3A_118 = arith.addi %add3A_113, %select_n3A_117 : vector<16xi32>
    %broadcast_in_dim3A_119 = arith.constant 32 : i32
    %broadcast_in_dim3A_120 = vector.broadcast %broadcast_in_dim3A_119 : i32 to vector<16xi32>
    %ge3A_121 = arith.cmpi sge, %get3A_106, %broadcast_in_dim3A_120 : vector<16xi32>
    %select_n3A_122 = arith.select %ge3A_121, %broadcast_in_dim3A_12, %broadcast_in_dim3A_14 : vector<16xi1>, vector<16xi32>
    %add3A_123 = arith.addi %add3A_118, %select_n3A_122 : vector<16xi32>
    %broadcast_in_dim3A_124 = arith.constant 64 : i32
    %broadcast_in_dim3A_125 = vector.broadcast %broadcast_in_dim3A_124 : i32 to vector<16xi32>
    %ge3A_126 = arith.cmpi sge, %get3A_106, %broadcast_in_dim3A_125 : vector<16xi32>
    %select_n3A_127 = arith.select %ge3A_126, %broadcast_in_dim3A_12, %broadcast_in_dim3A_14 : vector<16xi1>, vector<16xi32>
    %add3A_128 = arith.addi %add3A_123, %select_n3A_127 : vector<16xi32>
    %swap3A_129 = arith.constant 0 : i32
    %swap3A_130 = arith.index_cast %swap3A_129 : i32 to index
    %swap3A_131 = arith.constant 48 : index
    %swap3A_132 = tpu.vector_load %arg8[%swap3A_130, %swap3A_131] {strides = array<i32>} : memref<8x64xi32, #tpu.memory_space<vmem>>, vector<1x16xi32>,
    %swap3A_133 = vector.shape_cast %swap3A_132 : vector<1x16xi32> to vector<16xi32>
    %swap3A_134 = vector.shape_cast %add3A_128 : vector<16xi32> to vector<1x16xi32>
    tpu.vector_store %arg8[%swap3A_130, %swap3A_131], %swap3A_134 {strides = array<i32>} : memref<8x64xi32, #tpu.memory_space<vmem>>, vector<1x16xi32>,
    %eq3A_135 = arith.constant 0 : i32
    %eq3A_136 = arith.cmpi eq, %arg1, %eq3A_135 : i32
    %convert_element_type3A_137 = arith.extui %eq3A_136 : i1 to i32
    %cond3A_138 = arith.constant 0 : i32
    %cond3A_139 = arith.cmpi ne, %convert_element_type3A_137, %cond3A_138 : i32
    scf.if %cond3A_139 {
      tpu.wait_dma2 semaphore(%arg10 : memref<!tpu.dma_semaphore, #tpu.memory_space<semaphore_mem>>) src(%arg3 : memref<9x128xf32, #tpu.memory_space<hbm>>) dst(%arg5 : memref<9x128xf32, #tpu.memory_space<vmem>>)
      "tpu.region"() ({
        %run_scoped3A = tpu.sem_alloc : memref<!tpu.dma_semaphore, #tpu.memory_space<semaphore_mem>>
        tpu.enqueue_dma source(%arg5 : memref<9x128xf32, #tpu.memory_space<vmem>>) target(%arg6 : memref<9x128xf32, #tpu.memory_space<vmem_shared>>) target_semaphore(%run_scoped3A : memref<!tpu.dma_semaphore, #tpu.memory_space<semaphore_mem>>)
        tpu.wait_dma2 semaphore(%run_scoped3A : memref<!tpu.dma_semaphore, #tpu.memory_space<semaphore_mem>>) src(%arg5 : memref<9x128xf32, #tpu.memory_space<vmem>>) dst(%arg6 : memref<9x128xf32, #tpu.memory_space<vmem_shared>>)
        tpu.yield
      }) : () -> ()
    } else {
    }
    %dma_wait3A = arith.constant 64 : i32
    %dma_wait3A_140 = tpu.memref_slice %arg7[%dma_wait3A] : memref<512xi32, #tpu.memory_space<vmem>> -> memref<448xi32, #tpu.memory_space<vmem>>
    %dma_wait3A_141 = tpu.memref_slice %arg2[%add3A_6] : memref<16384xi32, #tpu.memory_space<hbm>> -> memref<448xi32, #tpu.memory_space<hbm>>
    %dma_wait3A_142 = arith.constant 64 : i32
    %dma_wait3A_143 = tpu.memref_slice %arg7[%dma_wait3A_142] : memref<512xi32, #tpu.memory_space<vmem>> -> memref<448xi32, #tpu.memory_space<vmem>>
    %dma_wait3A_144 = tpu.memref_slice %arg2[%add3A_6] : memref<16384xi32, #tpu.memory_space<hbm>> -> memref<448xi32, #tpu.memory_space<hbm>>
    tpu.wait_dma2 semaphore(%arg20 : memref<!tpu.dma_semaphore, #tpu.memory_space<semaphore_mem>>) src(%dma_wait3A_144 : memref<448xi32, #tpu.memory_space<hbm>>) dst(%dma_wait3A_143 : memref<448xi32, #tpu.memory_space<vmem>>)
    %barrier3A = arith.constant 0 : index
    tpu.barrier barrier_id(%barrier3A)
    %dma_start3A_145 = arith.constant 0 : i32
    %dma_start3A_146 = arith.constant 0 : i32
    %dma_start3A_147 = arith.constant 0 : i32
    %dma_start3A_148 = tpu.memref_slice %arg9[%dma_start3A_146, %dma_start3A_147] : memref<512x128xf32, #tpu.memory_space<vmem>> -> memref<64x128xf32, #tpu.memory_space<vmem>>
    %dma_start3A_149 = arith.constant 0 : i32
    %dma_start3A_150 = tpu.memref_slice %arg8[%dma_start3A_145, %dma_start3A_149] : memref<8x64xi32, #tpu.memory_space<vmem>> -> memref<1x64xi32, #tpu.memory_space<vmem>>
    %dma_start3A_151 = tpu.memref_squeeze %dma_start3A_150 : memref<1x64xi32, #tpu.memory_space<vmem>> -> memref<64xi32, #tpu.memory_space<vmem>>
    %dma_start3A_152 = arith.constant 0 : i32
    %dma_start3A_153 = arith.constant 0 : i32
    %dma_start3A_154 = tpu.memref_slice %arg6[%dma_start3A_152, %dma_start3A_153] : memref<9x128xf32, #tpu.memory_space<vmem_shared>> -> memref<9x128xf32, #tpu.memory_space<vmem_shared>>
    tpu.enqueue_indirect_dma source(%dma_start3A_154 : memref<9x128xf32, #tpu.memory_space<vmem_shared>>) target(%dma_start3A_148 : memref<64x128xf32, #tpu.memory_space<vmem>>) offsets(%dma_start3A_151 : memref<64xi32, #tpu.memory_space<vmem>>) semaphore(%arg11 : memref<!tpu.dma_semaphore, #tpu.memory_space<semaphore_mem>>)
    %get3A_155 = arith.constant 64 : index
    %get3A_156 = tpu.vector_load %arg7[%get3A_155] {strides = array<i32>} : memref<512xi32, #tpu.memory_space<vmem>>, vector<16xi32>,
    %get3A_157 = vector.shape_cast %get3A_156 : vector<16xi32> to vector<16xi32>
    %max3A_158 = arith.maxsi %get3A_157, %broadcast_in_dim3A_14 : vector<16xi32>
    %min3A_159 = arith.minsi %max3A_158, %broadcast_in_dim3A_16 : vector<16xi32>
    %broadcast_in_dim3A_160 = arith.constant 8 : i32
    %broadcast_in_dim3A_161 = vector.broadcast %broadcast_in_dim3A_160 : i32 to vector<16xi32>
    %ge3A_162 = arith.cmpi sge, %get3A_157, %broadcast_in_dim3A_161 : vector<16xi32>
    %select_n3A_163 = arith.select %ge3A_162, %broadcast_in_dim3A_12, %broadcast_in_dim3A_14 : vector<16xi1>, vector<16xi32>
    %add3A_164 = arith.addi %min3A_159, %select_n3A_163 : vector<16xi32>
    %broadcast_in_dim3A_165 = arith.constant 16 : i32
    %broadcast_in_dim3A_166 = vector.broadcast %broadcast_in_dim3A_165 : i32 to vector<16xi32>
    %ge3A_167 = arith.cmpi sge, %get3A_157, %broadcast_in_dim3A_166 : vector<16xi32>
    %select_n3A_168 = arith.select %ge3A_167, %broadcast_in_dim3A_12, %broadcast_in_dim3A_14 : vector<16xi1>, vector<16xi32>
    %add3A_169 = arith.addi %add3A_164, %select_n3A_168 : vector<16xi32>
    %broadcast_in_dim3A_170 = arith.constant 32 : i32
    %broadcast_in_dim3A_171 = vector.broadcast %broadcast_in_dim3A_170 : i32 to vector<16xi32>
    %ge3A_172 = arith.cmpi sge, %get3A_157, %broadcast_in_dim3A_171 : vector<16xi32>
    %select_n3A_173 = arith.select %ge3A_172, %broadcast_in_dim3A_12, %broadcast_in_dim3A_14 : vector<16xi1>, vector<16xi32>
    %add3A_174 = arith.addi %add3A_169, %select_n3A_173 : vector<16xi32>
    %broadcast_in_dim3A_175 = arith.constant 64 : i32
    %broadcast_in_dim3A_176 = vector.broadcast %broadcast_in_dim3A_175 : i32 to vector<16xi32>
    %ge3A_177 = arith.cmpi sge, %get3A_157, %broadcast_in_dim3A_176 : vector<16xi32>
    %select_n3A_178 = arith.select %ge3A_177, %broadcast_in_dim3A_12, %broadcast_in_dim3A_14 : vector<16xi1>, vector<16xi32>
    %add3A_179 = arith.addi %add3A_174, %select_n3A_178 : vector<16xi32>
    %swap3A_180 = arith.constant 1 : i32
    %swap3A_181 = arith.index_cast %swap3A_180 : i32 to index
    %swap3A_182 = arith.constant 0 : index
    %swap3A_183 = tpu.vector_load %arg8[%swap3A_181, %swap3A_182] {strides = array<i32>} : memref<8x64xi32, #tpu.memory_space<vmem>>, vector<1x16xi32>,
    %swap3A_184 = vector.shape_cast %swap3A_183 : vector<1x16xi32> to vector<16xi32>
    %swap3A_185 = vector.shape_cast %add3A_179 : vector<16xi32> to vector<1x16xi32>
    tpu.vector_store %arg8[%swap3A_181, %swap3A_182], %swap3A_185 {strides = array<i32>} : memref<8x64xi32, #tpu.memory_space<vmem>>, vector<1x16xi32>,
    %get3A_186 = arith.constant 80 : index
    %get3A_187 = tpu.vector_load %arg7[%get3A_186] {strides = array<i32>} : memref<512xi32, #tpu.memory_space<vmem>>, vector<16xi32>,
    %get3A_188 = vector.shape_cast %get3A_187 : vector<16xi32> to vector<16xi32>
    %max3A_189 = arith.maxsi %get3A_188, %broadcast_in_dim3A_14 : vector<16xi32>
    %min3A_190 = arith.minsi %max3A_189, %broadcast_in_dim3A_16 : vector<16xi32>
    %broadcast_in_dim3A_191 = arith.constant 8 : i32
    %broadcast_in_dim3A_192 = vector.broadcast %broadcast_in_dim3A_191 : i32 to vector<16xi32>
    %ge3A_193 = arith.cmpi sge, %get3A_188, %broadcast_in_dim3A_192 : vector<16xi32>
    %select_n3A_194 = arith.select %ge3A_193, %broadcast_in_dim3A_12, %broadcast_in_dim3A_14 : vector<16xi1>, vector<16xi32>
    %add3A_195 = arith.addi %min3A_190, %select_n3A_194 : vector<16xi32>
    %broadcast_in_dim3A_196 = arith.constant 16 : i32
    %broadcast_in_dim3A_197 = vector.broadcast %broadcast_in_dim3A_196 : i32 to vector<16xi32>
    %ge3A_198 = arith.cmpi sge, %get3A_188, %broadcast_in_dim3A_197 : vector<16xi32>
    %select_n3A_199 = arith.select %ge3A_198, %broadcast_in_dim3A_12, %broadcast_in_dim3A_14 : vector<16xi1>, vector<16xi32>
    %add3A_200 = arith.addi %add3A_195, %select_n3A_199 : vector<16xi32>
    %broadcast_in_dim3A_201 = arith.constant 32 : i32
    %broadcast_in_dim3A_202 = vector.broadcast %broadcast_in_dim3A_201 : i32 to vector<16xi32>
    %ge3A_203 = arith.cmpi sge, %get3A_188, %broadcast_in_dim3A_202 : vector<16xi32>
    %select_n3A_204 = arith.select %ge3A_203, %broadcast_in_dim3A_12, %broadcast_in_dim3A_14 : vector<16xi1>, vector<16xi32>
    %add3A_205 = arith.addi %add3A_200, %select_n3A_204 : vector<16xi32>
    %broadcast_in_dim3A_206 = arith.constant 64 : i32
    %broadcast_in_dim3A_207 = vector.broadcast %broadcast_in_dim3A_206 : i32 to vector<16xi32>
    %ge3A_208 = arith.cmpi sge, %get3A_188, %broadcast_in_dim3A_207 : vector<16xi32>
    %select_n3A_209 = arith.select %ge3A_208, %broadcast_in_dim3A_12, %broadcast_in_dim3A_14 : vector<16xi1>, vector<16xi32>
    %add3A_210 = arith.addi %add3A_205, %select_n3A_209 : vector<16xi32>
    %swap3A_211 = arith.constant 1 : i32
    %swap3A_212 = arith.index_cast %swap3A_211 : i32 to index
    %swap3A_213 = arith.constant 16 : index
    %swap3A_214 = tpu.vector_load %arg8[%swap3A_212, %swap3A_213] {strides = array<i32>} : memref<8x64xi32, #tpu.memory_space<vmem>>, vector<1x16xi32>,
    %swap3A_215 = vector.shape_cast %swap3A_214 : vector<1x16xi32> to vector<16xi32>
    %swap3A_216 = vector.shape_cast %add3A_210 : vector<16xi32> to vector<1x16xi32>
    tpu.vector_store %arg8[%swap3A_212, %swap3A_213], %swap3A_216 {strides = array<i32>} : memref<8x64xi32, #tpu.memory_space<vmem>>, vector<1x16xi32>,
    %get3A_217 = arith.constant 96 : index
    %get3A_218 = tpu.vector_load %arg7[%get3A_217] {strides = array<i32>} : memref<512xi32, #tpu.memory_space<vmem>>, vector<16xi32>,
    %get3A_219 = vector.shape_cast %get3A_218 : vector<16xi32> to vector<16xi32>
    %max3A_220 = arith.maxsi %get3A_219, %broadcast_in_dim3A_14 : vector<16xi32>
    %min3A_221 = arith.minsi %max3A_220, %broadcast_in_dim3A_16 : vector<16xi32>
    %broadcast_in_dim3A_222 = arith.constant 8 : i32
    %broadcast_in_dim3A_223 = vector.broadcast %broadcast_in_dim3A_222 : i32 to vector<16xi32>
    %ge3A_224 = arith.cmpi sge, %get3A_219, %broadcast_in_dim3A_223 : vector<16xi32>
    %select_n3A_225 = arith.select %ge3A_224, %broadcast_in_dim3A_12, %broadcast_in_dim3A_14 : vector<16xi1>, vector<16xi32>
    %add3A_226 = arith.addi %min3A_221, %select_n3A_225 : vector<16xi32>
    %broadcast_in_dim3A_227 = arith.constant 16 : i32
    %broadcast_in_dim3A_228 = vector.broadcast %broadcast_in_dim3A_227 : i32 to vector<16xi32>
    %ge3A_229 = arith.cmpi sge, %get3A_219, %broadcast_in_dim3A_228 : vector<16xi32>
    %select_n3A_230 = arith.select %ge3A_229, %broadcast_in_dim3A_12, %broadcast_in_dim3A_14 : vector<16xi1>, vector<16xi32>
    %add3A_231 = arith.addi %add3A_226, %select_n3A_230 : vector<16xi32>
    %broadcast_in_dim3A_232 = arith.constant 32 : i32
    %broadcast_in_dim3A_233 = vector.broadcast %broadcast_in_dim3A_232 : i32 to vector<16xi32>
    %ge3A_234 = arith.cmpi sge, %get3A_219, %broadcast_in_dim3A_233 : vector<16xi32>
    %select_n3A_235 = arith.select %ge3A_234, %broadcast_in_dim3A_12, %broadcast_in_dim3A_14 : vector<16xi1>, vector<16xi32>
    %add3A_236 = arith.addi %add3A_231, %select_n3A_235 : vector<16xi32>
    %broadcast_in_dim3A_237 = arith.constant 64 : i32
    %broadcast_in_dim3A_238 = vector.broadcast %broadcast_in_dim3A_237 : i32 to vector<16xi32>
    %ge3A_239 = arith.cmpi sge, %get3A_219, %broadcast_in_dim3A_238 : vector<16xi32>
    %select_n3A_240 = arith.select %ge3A_239, %broadcast_in_dim3A_12, %broadcast_in_dim3A_14 : vector<16xi1>, vector<16xi32>
    %add3A_241 = arith.addi %add3A_236, %select_n3A_240 : vector<16xi32>
    %swap3A_242 = arith.constant 1 : i32
    %swap3A_243 = arith.index_cast %swap3A_242 : i32 to index
    %swap3A_244 = arith.constant 32 : index
    %swap3A_245 = tpu.vector_load %arg8[%swap3A_243, %swap3A_244] {strides = array<i32>} : memref<8x64xi32, #tpu.memory_space<vmem>>, vector<1x16xi32>,
    %swap3A_246 = vector.shape_cast %swap3A_245 : vector<1x16xi32> to vector<16xi32>
    %swap3A_247 = vector.shape_cast %add3A_241 : vector<16xi32> to vector<1x16xi32>
    tpu.vector_store %arg8[%swap3A_243, %swap3A_244], %swap3A_247 {strides = array<i32>} : memref<8x64xi32, #tpu.memory_space<vmem>>, vector<1x16xi32>,
    %get3A_248 = arith.constant 112 : index
    %get3A_249 = tpu.vector_load %arg7[%get3A_248] {strides = array<i32>} : memref<512xi32, #tpu.memory_space<vmem>>, vector<16xi32>,
    %get3A_250 = vector.shape_cast %get3A_249 : vector<16xi32> to vector<16xi32>
    %max3A_251 = arith.maxsi %get3A_250, %broadcast_in_dim3A_14 : vector<16xi32>
    %min3A_252 = arith.minsi %max3A_251, %broadcast_in_dim3A_16 : vector<16xi32>
    %broadcast_in_dim3A_253 = arith.constant 8 : i32
    %broadcast_in_dim3A_254 = vector.broadcast %broadcast_in_dim3A_253 : i32 to vector<16xi32>
    %ge3A_255 = arith.cmpi sge, %get3A_250, %broadcast_in_dim3A_254 : vector<16xi32>
    %select_n3A_256 = arith.select %ge3A_255, %broadcast_in_dim3A_12, %broadcast_in_dim3A_14 : vector<16xi1>, vector<16xi32>
    %add3A_257 = arith.addi %min3A_252, %select_n3A_256 : vector<16xi32>
    %broadcast_in_dim3A_258 = arith.constant 16 : i32
    %broadcast_in_dim3A_259 = vector.broadcast %broadcast_in_dim3A_258 : i32 to vector<16xi32>
    %ge3A_260 = arith.cmpi sge, %get3A_250, %broadcast_in_dim3A_259 : vector<16xi32>
    %select_n3A_261 = arith.select %ge3A_260, %broadcast_in_dim3A_12, %broadcast_in_dim3A_14 : vector<16xi1>, vector<16xi32>
    %add3A_262 = arith.addi %add3A_257, %select_n3A_261 : vector<16xi32>
    %broadcast_in_dim3A_263 = arith.constant 32 : i32
    %broadcast_in_dim3A_264 = vector.broadcast %broadcast_in_dim3A_263 : i32 to vector<16xi32>
    %ge3A_265 = arith.cmpi sge, %get3A_250, %broadcast_in_dim3A_264 : vector<16xi32>
    %select_n3A_266 = arith.select %ge3A_265, %broadcast_in_dim3A_12, %broadcast_in_dim3A_14 : vector<16xi1>, vector<16xi32>
    %add3A_267 = arith.addi %add3A_262, %select_n3A_266 : vector<16xi32>
    %broadcast_in_dim3A_268 = arith.constant 64 : i32
    %broadcast_in_dim3A_269 = vector.broadcast %broadcast_in_dim3A_268 : i32 to vector<16xi32>
    %ge3A_270 = arith.cmpi sge, %get3A_250, %broadcast_in_dim3A_269 : vector<16xi32>
    %select_n3A_271 = arith.select %ge3A_270, %broadcast_in_dim3A_12, %broadcast_in_dim3A_14 : vector<16xi1>, vector<16xi32>
    %add3A_272 = arith.addi %add3A_267, %select_n3A_271 : vector<16xi32>
    %swap3A_273 = arith.constant 1 : i32
    %swap3A_274 = arith.index_cast %swap3A_273 : i32 to index
    %swap3A_275 = arith.constant 48 : index
    %swap3A_276 = tpu.vector_load %arg8[%swap3A_274, %swap3A_275] {strides = array<i32>} : memref<8x64xi32, #tpu.memory_space<vmem>>, vector<1x16xi32>,
    %swap3A_277 = vector.shape_cast %swap3A_276 : vector<1x16xi32> to vector<16xi32>
    %swap3A_278 = vector.shape_cast %add3A_272 : vector<16xi32> to vector<1x16xi32>
    tpu.vector_store %arg8[%swap3A_274, %swap3A_275], %swap3A_278 {strides = array<i32>} : memref<8x64xi32, #tpu.memory_space<vmem>>, vector<1x16xi32>,
    %dma_start3A_279 = arith.constant 1 : i32
    %dma_start3A_280 = arith.constant 64 : i32
    %dma_start3A_281 = arith.constant 0 : i32
    %dma_start3A_282 = tpu.memref_slice %arg9[%dma_start3A_280, %dma_start3A_281] : memref<512x128xf32, #tpu.memory_space<vmem>> -> memref<64x128xf32, #tpu.memory_space<vmem>>
    %dma_start3A_283 = arith.constant 0 : i32
    %dma_start3A_284 = tpu.memref_slice %arg8[%dma_start3A_279, %dma_start3A_283] : memref<8x64xi32, #tpu.memory_space<vmem>> -> memref<1x64xi32, #tpu.memory_space<vmem>>
    %dma_start3A_285 = tpu.memref_squeeze %dma_start3A_284 : memref<1x64xi32, #tpu.memory_space<vmem>> -> memref<64xi32, #tpu.memory_space<vmem>>
    %dma_start3A_286 = arith.constant 0 : i32
    %dma_start3A_287 = arith.constant 0 : i32
    %dma_start3A_288 = tpu.memref_slice %arg6[%dma_start3A_286, %dma_start3A_287] : memref<9x128xf32, #tpu.memory_space<vmem_shared>> -> memref<9x128xf32, #tpu.memory_space<vmem_shared>>
    tpu.enqueue_indirect_dma source(%dma_start3A_288 : memref<9x128xf32, #tpu.memory_space<vmem_shared>>) target(%dma_start3A_282 : memref<64x128xf32, #tpu.memory_space<vmem>>) offsets(%dma_start3A_285 : memref<64xi32, #tpu.memory_space<vmem>>) semaphore(%arg12 : memref<!tpu.dma_semaphore, #tpu.memory_space<semaphore_mem>>)
    %get3A_289 = arith.constant 128 : index
    %get3A_290 = tpu.vector_load %arg7[%get3A_289] {strides = array<i32>} : memref<512xi32, #tpu.memory_space<vmem>>, vector<16xi32>,
    %get3A_291 = vector.shape_cast %get3A_290 : vector<16xi32> to vector<16xi32>
    %max3A_292 = arith.maxsi %get3A_291, %broadcast_in_dim3A_14 : vector<16xi32>
    %min3A_293 = arith.minsi %max3A_292, %broadcast_in_dim3A_16 : vector<16xi32>
    %broadcast_in_dim3A_294 = arith.constant 8 : i32
    %broadcast_in_dim3A_295 = vector.broadcast %broadcast_in_dim3A_294 : i32 to vector<16xi32>
    %ge3A_296 = arith.cmpi sge, %get3A_291, %broadcast_in_dim3A_295 : vector<16xi32>
    %select_n3A_297 = arith.select %ge3A_296, %broadcast_in_dim3A_12, %broadcast_in_dim3A_14 : vector<16xi1>, vector<16xi32>
    %add3A_298 = arith.addi %min3A_293, %select_n3A_297 : vector<16xi32>
    %broadcast_in_dim3A_299 = arith.constant 16 : i32
    %broadcast_in_dim3A_300 = vector.broadcast %broadcast_in_dim3A_299 : i32 to vector<16xi32>
    %ge3A_301 = arith.cmpi sge, %get3A_291, %broadcast_in_dim3A_300 : vector<16xi32>
    %select_n3A_302 = arith.select %ge3A_301, %broadcast_in_dim3A_12, %broadcast_in_dim3A_14 : vector<16xi1>, vector<16xi32>
    %add3A_303 = arith.addi %add3A_298, %select_n3A_302 : vector<16xi32>
    %broadcast_in_dim3A_304 = arith.constant 32 : i32
    %broadcast_in_dim3A_305 = vector.broadcast %broadcast_in_dim3A_304 : i32 to vector<16xi32>
    %ge3A_306 = arith.cmpi sge, %get3A_291, %broadcast_in_dim3A_305 : vector<16xi32>
    %select_n3A_307 = arith.select %ge3A_306, %broadcast_in_dim3A_12, %broadcast_in_dim3A_14 : vector<16xi1>, vector<16xi32>
    %add3A_308 = arith.addi %add3A_303, %select_n3A_307 : vector<16xi32>
    %broadcast_in_dim3A_309 = arith.constant 64 : i32
    %broadcast_in_dim3A_310 = vector.broadcast %broadcast_in_dim3A_309 : i32 to vector<16xi32>
    %ge3A_311 = arith.cmpi sge, %get3A_291, %broadcast_in_dim3A_310 : vector<16xi32>
    %select_n3A_312 = arith.select %ge3A_311, %broadcast_in_dim3A_12, %broadcast_in_dim3A_14 : vector<16xi1>, vector<16xi32>
    %add3A_313 = arith.addi %add3A_308, %select_n3A_312 : vector<16xi32>
    %swap3A_314 = arith.constant 2 : i32
    %swap3A_315 = arith.index_cast %swap3A_314 : i32 to index
    %swap3A_316 = arith.constant 0 : index
    %swap3A_317 = tpu.vector_load %arg8[%swap3A_315, %swap3A_316] {strides = array<i32>} : memref<8x64xi32, #tpu.memory_space<vmem>>, vector<1x16xi32>,
    %swap3A_318 = vector.shape_cast %swap3A_317 : vector<1x16xi32> to vector<16xi32>
    %swap3A_319 = vector.shape_cast %add3A_313 : vector<16xi32> to vector<1x16xi32>
    tpu.vector_store %arg8[%swap3A_315, %swap3A_316], %swap3A_319 {strides = array<i32>} : memref<8x64xi32, #tpu.memory_space<vmem>>, vector<1x16xi32>,
    %get3A_320 = arith.constant 144 : index
    %get3A_321 = tpu.vector_load %arg7[%get3A_320] {strides = array<i32>} : memref<512xi32, #tpu.memory_space<vmem>>, vector<16xi32>,
    %get3A_322 = vector.shape_cast %get3A_321 : vector<16xi32> to vector<16xi32>
    %max3A_323 = arith.maxsi %get3A_322, %broadcast_in_dim3A_14 : vector<16xi32>
    %min3A_324 = arith.minsi %max3A_323, %broadcast_in_dim3A_16 : vector<16xi32>
    %broadcast_in_dim3A_325 = arith.constant 8 : i32
    %broadcast_in_dim3A_326 = vector.broadcast %broadcast_in_dim3A_325 : i32 to vector<16xi32>
    %ge3A_327 = arith.cmpi sge, %get3A_322, %broadcast_in_dim3A_326 : vector<16xi32>
    %select_n3A_328 = arith.select %ge3A_327, %broadcast_in_dim3A_12, %broadcast_in_dim3A_14 : vector<16xi1>, vector<16xi32>
    %add3A_329 = arith.addi %min3A_324, %select_n3A_328 : vector<16xi32>
    %broadcast_in_dim3A_330 = arith.constant 16 : i32
    %broadcast_in_dim3A_331 = vector.broadcast %broadcast_in_dim3A_330 : i32 to vector<16xi32>
    %ge3A_332 = arith.cmpi sge, %get3A_322, %broadcast_in_dim3A_331 : vector<16xi32>
    %select_n3A_333 = arith.select %ge3A_332, %broadcast_in_dim3A_12, %broadcast_in_dim3A_14 : vector<16xi1>, vector<16xi32>
    %add3A_334 = arith.addi %add3A_329, %select_n3A_333 : vector<16xi32>
    %broadcast_in_dim3A_335 = arith.constant 32 : i32
    %broadcast_in_dim3A_336 = vector.broadcast %broadcast_in_dim3A_335 : i32 to vector<16xi32>
    %ge3A_337 = arith.cmpi sge, %get3A_322, %broadcast_in_dim3A_336 : vector<16xi32>
    %select_n3A_338 = arith.select %ge3A_337, %broadcast_in_dim3A_12, %broadcast_in_dim3A_14 : vector<16xi1>, vector<16xi32>
    %add3A_339 = arith.addi %add3A_334, %select_n3A_338 : vector<16xi32>
    %broadcast_in_dim3A_340 = arith.constant 64 : i32
    %broadcast_in_dim3A_341 = vector.broadcast %broadcast_in_dim3A_340 : i32 to vector<16xi32>
    %ge3A_342 = arith.cmpi sge, %get3A_322, %broadcast_in_dim3A_341 : vector<16xi32>
    %select_n3A_343 = arith.select %ge3A_342, %broadcast_in_dim3A_12, %broadcast_in_dim3A_14 : vector<16xi1>, vector<16xi32>
    %add3A_344 = arith.addi %add3A_339, %select_n3A_343 : vector<16xi32>
    %swap3A_345 = arith.constant 2 : i32
    %swap3A_346 = arith.index_cast %swap3A_345 : i32 to index
    %swap3A_347 = arith.constant 16 : index
    %swap3A_348 = tpu.vector_load %arg8[%swap3A_346, %swap3A_347] {strides = array<i32>} : memref<8x64xi32, #tpu.memory_space<vmem>>, vector<1x16xi32>,
    %swap3A_349 = vector.shape_cast %swap3A_348 : vector<1x16xi32> to vector<16xi32>
    %swap3A_350 = vector.shape_cast %add3A_344 : vector<16xi32> to vector<1x16xi32>
    tpu.vector_store %arg8[%swap3A_346, %swap3A_347], %swap3A_350 {strides = array<i32>} : memref<8x64xi32, #tpu.memory_space<vmem>>, vector<1x16xi32>,
    %get3A_351 = arith.constant 160 : index
    %get3A_352 = tpu.vector_load %arg7[%get3A_351] {strides = array<i32>} : memref<512xi32, #tpu.memory_space<vmem>>, vector<16xi32>,
    %get3A_353 = vector.shape_cast %get3A_352 : vector<16xi32> to vector<16xi32>
    %max3A_354 = arith.maxsi %get3A_353, %broadcast_in_dim3A_14 : vector<16xi32>
    %min3A_355 = arith.minsi %max3A_354, %broadcast_in_dim3A_16 : vector<16xi32>
    %broadcast_in_dim3A_356 = arith.constant 8 : i32
    %broadcast_in_dim3A_357 = vector.broadcast %broadcast_in_dim3A_356 : i32 to vector<16xi32>
    %ge3A_358 = arith.cmpi sge, %get3A_353, %broadcast_in_dim3A_357 : vector<16xi32>
    %select_n3A_359 = arith.select %ge3A_358, %broadcast_in_dim3A_12, %broadcast_in_dim3A_14 : vector<16xi1>, vector<16xi32>
    %add3A_360 = arith.addi %min3A_355, %select_n3A_359 : vector<16xi32>
    %broadcast_in_dim3A_361 = arith.constant 16 : i32
    %broadcast_in_dim3A_362 = vector.broadcast %broadcast_in_dim3A_361 : i32 to vector<16xi32>
    %ge3A_363 = arith.cmpi sge, %get3A_353, %broadcast_in_dim3A_362 : vector<16xi32>
    %select_n3A_364 = arith.select %ge3A_363, %broadcast_in_dim3A_12, %broadcast_in_dim3A_14 : vector<16xi1>, vector<16xi32>
    %add3A_365 = arith.addi %add3A_360, %select_n3A_364 : vector<16xi32>
    %broadcast_in_dim3A_366 = arith.constant 32 : i32
    %broadcast_in_dim3A_367 = vector.broadcast %broadcast_in_dim3A_366 : i32 to vector<16xi32>
    %ge3A_368 = arith.cmpi sge, %get3A_353, %broadcast_in_dim3A_367 : vector<16xi32>
    %select_n3A_369 = arith.select %ge3A_368, %broadcast_in_dim3A_12, %broadcast_in_dim3A_14 : vector<16xi1>, vector<16xi32>
    %add3A_370 = arith.addi %add3A_365, %select_n3A_369 : vector<16xi32>
    %broadcast_in_dim3A_371 = arith.constant 64 : i32
    %broadcast_in_dim3A_372 = vector.broadcast %broadcast_in_dim3A_371 : i32 to vector<16xi32>
    %ge3A_373 = arith.cmpi sge, %get3A_353, %broadcast_in_dim3A_372 : vector<16xi32>
    %select_n3A_374 = arith.select %ge3A_373, %broadcast_in_dim3A_12, %broadcast_in_dim3A_14 : vector<16xi1>, vector<16xi32>
    %add3A_375 = arith.addi %add3A_370, %select_n3A_374 : vector<16xi32>
    %swap3A_376 = arith.constant 2 : i32
    %swap3A_377 = arith.index_cast %swap3A_376 : i32 to index
    %swap3A_378 = arith.constant 32 : index
    %swap3A_379 = tpu.vector_load %arg8[%swap3A_377, %swap3A_378] {strides = array<i32>} : memref<8x64xi32, #tpu.memory_space<vmem>>, vector<1x16xi32>,
    %swap3A_380 = vector.shape_cast %swap3A_379 : vector<1x16xi32> to vector<16xi32>
    %swap3A_381 = vector.shape_cast %add3A_375 : vector<16xi32> to vector<1x16xi32>
    tpu.vector_store %arg8[%swap3A_377, %swap3A_378], %swap3A_381 {strides = array<i32>} : memref<8x64xi32, #tpu.memory_space<vmem>>, vector<1x16xi32>,
    %get3A_382 = arith.constant 176 : index
    %get3A_383 = tpu.vector_load %arg7[%get3A_382] {strides = array<i32>} : memref<512xi32, #tpu.memory_space<vmem>>, vector<16xi32>,
    %get3A_384 = vector.shape_cast %get3A_383 : vector<16xi32> to vector<16xi32>
    %max3A_385 = arith.maxsi %get3A_384, %broadcast_in_dim3A_14 : vector<16xi32>
    %min3A_386 = arith.minsi %max3A_385, %broadcast_in_dim3A_16 : vector<16xi32>
    %broadcast_in_dim3A_387 = arith.constant 8 : i32
    %broadcast_in_dim3A_388 = vector.broadcast %broadcast_in_dim3A_387 : i32 to vector<16xi32>
    %ge3A_389 = arith.cmpi sge, %get3A_384, %broadcast_in_dim3A_388 : vector<16xi32>
    %select_n3A_390 = arith.select %ge3A_389, %broadcast_in_dim3A_12, %broadcast_in_dim3A_14 : vector<16xi1>, vector<16xi32>
    %add3A_391 = arith.addi %min3A_386, %select_n3A_390 : vector<16xi32>
    %broadcast_in_dim3A_392 = arith.constant 16 : i32
    %broadcast_in_dim3A_393 = vector.broadcast %broadcast_in_dim3A_392 : i32 to vector<16xi32>
    %ge3A_394 = arith.cmpi sge, %get3A_384, %broadcast_in_dim3A_393 : vector<16xi32>
    %select_n3A_395 = arith.select %ge3A_394, %broadcast_in_dim3A_12, %broadcast_in_dim3A_14 : vector<16xi1>, vector<16xi32>
    %add3A_396 = arith.addi %add3A_391, %select_n3A_395 : vector<16xi32>
    %broadcast_in_dim3A_397 = arith.constant 32 : i32
    %broadcast_in_dim3A_398 = vector.broadcast %broadcast_in_dim3A_397 : i32 to vector<16xi32>
    %ge3A_399 = arith.cmpi sge, %get3A_384, %broadcast_in_dim3A_398 : vector<16xi32>
    %select_n3A_400 = arith.select %ge3A_399, %broadcast_in_dim3A_12, %broadcast_in_dim3A_14 : vector<16xi1>, vector<16xi32>
    %add3A_401 = arith.addi %add3A_396, %select_n3A_400 : vector<16xi32>
    %broadcast_in_dim3A_402 = arith.constant 64 : i32
    %broadcast_in_dim3A_403 = vector.broadcast %broadcast_in_dim3A_402 : i32 to vector<16xi32>
    %ge3A_404 = arith.cmpi sge, %get3A_384, %broadcast_in_dim3A_403 : vector<16xi32>
    %select_n3A_405 = arith.select %ge3A_404, %broadcast_in_dim3A_12, %broadcast_in_dim3A_14 : vector<16xi1>, vector<16xi32>
    %add3A_406 = arith.addi %add3A_401, %select_n3A_405 : vector<16xi32>
    %swap3A_407 = arith.constant 2 : i32
    %swap3A_408 = arith.index_cast %swap3A_407 : i32 to index
    %swap3A_409 = arith.constant 48 : index
    %swap3A_410 = tpu.vector_load %arg8[%swap3A_408, %swap3A_409] {strides = array<i32>} : memref<8x64xi32, #tpu.memory_space<vmem>>, vector<1x16xi32>,
    %swap3A_411 = vector.shape_cast %swap3A_410 : vector<1x16xi32> to vector<16xi32>
    %swap3A_412 = vector.shape_cast %add3A_406 : vector<16xi32> to vector<1x16xi32>
    tpu.vector_store %arg8[%swap3A_408, %swap3A_409], %swap3A_412 {strides = array<i32>} : memref<8x64xi32, #tpu.memory_space<vmem>>, vector<1x16xi32>,
    %dma_start3A_413 = arith.constant 2 : i32
    %dma_start3A_414 = arith.constant 128 : i32
    %dma_start3A_415 = arith.constant 0 : i32
    %dma_start3A_416 = tpu.memref_slice %arg9[%dma_start3A_414, %dma_start3A_415] : memref<512x128xf32, #tpu.memory_space<vmem>> -> memref<64x128xf32, #tpu.memory_space<vmem>>
    %dma_start3A_417 = arith.constant 0 : i32
    %dma_start3A_418 = tpu.memref_slice %arg8[%dma_start3A_413, %dma_start3A_417] : memref<8x64xi32, #tpu.memory_space<vmem>> -> memref<1x64xi32, #tpu.memory_space<vmem>>
    %dma_start3A_419 = tpu.memref_squeeze %dma_start3A_418 : memref<1x64xi32, #tpu.memory_space<vmem>> -> memref<64xi32, #tpu.memory_space<vmem>>
    %dma_start3A_420 = arith.constant 0 : i32
    %dma_start3A_421 = arith.constant 0 : i32
    %dma_start3A_422 = tpu.memref_slice %arg6[%dma_start3A_420, %dma_start3A_421] : memref<9x128xf32, #tpu.memory_space<vmem_shared>> -> memref<9x128xf32, #tpu.memory_space<vmem_shared>>
    tpu.enqueue_indirect_dma source(%dma_start3A_422 : memref<9x128xf32, #tpu.memory_space<vmem_shared>>) target(%dma_start3A_416 : memref<64x128xf32, #tpu.memory_space<vmem>>) offsets(%dma_start3A_419 : memref<64xi32, #tpu.memory_space<vmem>>) semaphore(%arg13 : memref<!tpu.dma_semaphore, #tpu.memory_space<semaphore_mem>>)
    %get3A_423 = arith.constant 192 : index
    %get3A_424 = tpu.vector_load %arg7[%get3A_423] {strides = array<i32>} : memref<512xi32, #tpu.memory_space<vmem>>, vector<16xi32>,
    %get3A_425 = vector.shape_cast %get3A_424 : vector<16xi32> to vector<16xi32>
    %max3A_426 = arith.maxsi %get3A_425, %broadcast_in_dim3A_14 : vector<16xi32>
    %min3A_427 = arith.minsi %max3A_426, %broadcast_in_dim3A_16 : vector<16xi32>
    %broadcast_in_dim3A_428 = arith.constant 8 : i32
    %broadcast_in_dim3A_429 = vector.broadcast %broadcast_in_dim3A_428 : i32 to vector<16xi32>
    %ge3A_430 = arith.cmpi sge, %get3A_425, %broadcast_in_dim3A_429 : vector<16xi32>
    %select_n3A_431 = arith.select %ge3A_430, %broadcast_in_dim3A_12, %broadcast_in_dim3A_14 : vector<16xi1>, vector<16xi32>
    %add3A_432 = arith.addi %min3A_427, %select_n3A_431 : vector<16xi32>
    %broadcast_in_dim3A_433 = arith.constant 16 : i32
    %broadcast_in_dim3A_434 = vector.broadcast %broadcast_in_dim3A_433 : i32 to vector<16xi32>
    %ge3A_435 = arith.cmpi sge, %get3A_425, %broadcast_in_dim3A_434 : vector<16xi32>
    %select_n3A_436 = arith.select %ge3A_435, %broadcast_in_dim3A_12, %broadcast_in_dim3A_14 : vector<16xi1>, vector<16xi32>
    %add3A_437 = arith.addi %add3A_432, %select_n3A_436 : vector<16xi32>
    %broadcast_in_dim3A_438 = arith.constant 32 : i32
    %broadcast_in_dim3A_439 = vector.broadcast %broadcast_in_dim3A_438 : i32 to vector<16xi32>
    %ge3A_440 = arith.cmpi sge, %get3A_425, %broadcast_in_dim3A_439 : vector<16xi32>
    %select_n3A_441 = arith.select %ge3A_440, %broadcast_in_dim3A_12, %broadcast_in_dim3A_14 : vector<16xi1>, vector<16xi32>
    %add3A_442 = arith.addi %add3A_437, %select_n3A_441 : vector<16xi32>
    %broadcast_in_dim3A_443 = arith.constant 64 : i32
    %broadcast_in_dim3A_444 = vector.broadcast %broadcast_in_dim3A_443 : i32 to vector<16xi32>
    %ge3A_445 = arith.cmpi sge, %get3A_425, %broadcast_in_dim3A_444 : vector<16xi32>
    %select_n3A_446 = arith.select %ge3A_445, %broadcast_in_dim3A_12, %broadcast_in_dim3A_14 : vector<16xi1>, vector<16xi32>
    %add3A_447 = arith.addi %add3A_442, %select_n3A_446 : vector<16xi32>
    %swap3A_448 = arith.constant 3 : i32
    %swap3A_449 = arith.index_cast %swap3A_448 : i32 to index
    %swap3A_450 = arith.constant 0 : index
    %swap3A_451 = tpu.vector_load %arg8[%swap3A_449, %swap3A_450] {strides = array<i32>} : memref<8x64xi32, #tpu.memory_space<vmem>>, vector<1x16xi32>,
    %swap3A_452 = vector.shape_cast %swap3A_451 : vector<1x16xi32> to vector<16xi32>
    %swap3A_453 = vector.shape_cast %add3A_447 : vector<16xi32> to vector<1x16xi32>
    tpu.vector_store %arg8[%swap3A_449, %swap3A_450], %swap3A_453 {strides = array<i32>} : memref<8x64xi32, #tpu.memory_space<vmem>>, vector<1x16xi32>,
    %get3A_454 = arith.constant 208 : index
    %get3A_455 = tpu.vector_load %arg7[%get3A_454] {strides = array<i32>} : memref<512xi32, #tpu.memory_space<vmem>>, vector<16xi32>,
    %get3A_456 = vector.shape_cast %get3A_455 : vector<16xi32> to vector<16xi32>
    %max3A_457 = arith.maxsi %get3A_456, %broadcast_in_dim3A_14 : vector<16xi32>
    %min3A_458 = arith.minsi %max3A_457, %broadcast_in_dim3A_16 : vector<16xi32>
    %broadcast_in_dim3A_459 = arith.constant 8 : i32
    %broadcast_in_dim3A_460 = vector.broadcast %broadcast_in_dim3A_459 : i32 to vector<16xi32>
    %ge3A_461 = arith.cmpi sge, %get3A_456, %broadcast_in_dim3A_460 : vector<16xi32>
    %select_n3A_462 = arith.select %ge3A_461, %broadcast_in_dim3A_12, %broadcast_in_dim3A_14 : vector<16xi1>, vector<16xi32>
    %add3A_463 = arith.addi %min3A_458, %select_n3A_462 : vector<16xi32>
    %broadcast_in_dim3A_464 = arith.constant 16 : i32
    %broadcast_in_dim3A_465 = vector.broadcast %broadcast_in_dim3A_464 : i32 to vector<16xi32>
    %ge3A_466 = arith.cmpi sge, %get3A_456, %broadcast_in_dim3A_465 : vector<16xi32>
    %select_n3A_467 = arith.select %ge3A_466, %broadcast_in_dim3A_12, %broadcast_in_dim3A_14 : vector<16xi1>, vector<16xi32>
    %add3A_468 = arith.addi %add3A_463, %select_n3A_467 : vector<16xi32>
    %broadcast_in_dim3A_469 = arith.constant 32 : i32
    %broadcast_in_dim3A_470 = vector.broadcast %broadcast_in_dim3A_469 : i32 to vector<16xi32>
    %ge3A_471 = arith.cmpi sge, %get3A_456, %broadcast_in_dim3A_470 : vector<16xi32>
    %select_n3A_472 = arith.select %ge3A_471, %broadcast_in_dim3A_12, %broadcast_in_dim3A_14 : vector<16xi1>, vector<16xi32>
    %add3A_473 = arith.addi %add3A_468, %select_n3A_472 : vector<16xi32>
    %broadcast_in_dim3A_474 = arith.constant 64 : i32
    %broadcast_in_dim3A_475 = vector.broadcast %broadcast_in_dim3A_474 : i32 to vector<16xi32>
    %ge3A_476 = arith.cmpi sge, %get3A_456, %broadcast_in_dim3A_475 : vector<16xi32>
    %select_n3A_477 = arith.select %ge3A_476, %broadcast_in_dim3A_12, %broadcast_in_dim3A_14 : vector<16xi1>, vector<16xi32>
    %add3A_478 = arith.addi %add3A_473, %select_n3A_477 : vector<16xi32>
    %swap3A_479 = arith.constant 3 : i32
    %swap3A_480 = arith.index_cast %swap3A_479 : i32 to index
    %swap3A_481 = arith.constant 16 : index
    %swap3A_482 = tpu.vector_load %arg8[%swap3A_480, %swap3A_481] {strides = array<i32>} : memref<8x64xi32, #tpu.memory_space<vmem>>, vector<1x16xi32>,
    %swap3A_483 = vector.shape_cast %swap3A_482 : vector<1x16xi32> to vector<16xi32>
    %swap3A_484 = vector.shape_cast %add3A_478 : vector<16xi32> to vector<1x16xi32>
    tpu.vector_store %arg8[%swap3A_480, %swap3A_481], %swap3A_484 {strides = array<i32>} : memref<8x64xi32, #tpu.memory_space<vmem>>, vector<1x16xi32>,
    %get3A_485 = arith.constant 224 : index
    %get3A_486 = tpu.vector_load %arg7[%get3A_485] {strides = array<i32>} : memref<512xi32, #tpu.memory_space<vmem>>, vector<16xi32>,
    %get3A_487 = vector.shape_cast %get3A_486 : vector<16xi32> to vector<16xi32>
    %max3A_488 = arith.maxsi %get3A_487, %broadcast_in_dim3A_14 : vector<16xi32>
    %min3A_489 = arith.minsi %max3A_488, %broadcast_in_dim3A_16 : vector<16xi32>
    %broadcast_in_dim3A_490 = arith.constant 8 : i32
    %broadcast_in_dim3A_491 = vector.broadcast %broadcast_in_dim3A_490 : i32 to vector<16xi32>
    %ge3A_492 = arith.cmpi sge, %get3A_487, %broadcast_in_dim3A_491 : vector<16xi32>
    %select_n3A_493 = arith.select %ge3A_492, %broadcast_in_dim3A_12, %broadcast_in_dim3A_14 : vector<16xi1>, vector<16xi32>
    %add3A_494 = arith.addi %min3A_489, %select_n3A_493 : vector<16xi32>
    %broadcast_in_dim3A_495 = arith.constant 16 : i32
    %broadcast_in_dim3A_496 = vector.broadcast %broadcast_in_dim3A_495 : i32 to vector<16xi32>
    %ge3A_497 = arith.cmpi sge, %get3A_487, %broadcast_in_dim3A_496 : vector<16xi32>
    %select_n3A_498 = arith.select %ge3A_497, %broadcast_in_dim3A_12, %broadcast_in_dim3A_14 : vector<16xi1>, vector<16xi32>
    %add3A_499 = arith.addi %add3A_494, %select_n3A_498 : vector<16xi32>
    %broadcast_in_dim3A_500 = arith.constant 32 : i32
    %broadcast_in_dim3A_501 = vector.broadcast %broadcast_in_dim3A_500 : i32 to vector<16xi32>
    %ge3A_502 = arith.cmpi sge, %get3A_487, %broadcast_in_dim3A_501 : vector<16xi32>
    %select_n3A_503 = arith.select %ge3A_502, %broadcast_in_dim3A_12, %broadcast_in_dim3A_14 : vector<16xi1>, vector<16xi32>
    %add3A_504 = arith.addi %add3A_499, %select_n3A_503 : vector<16xi32>
    %broadcast_in_dim3A_505 = arith.constant 64 : i32
    %broadcast_in_dim3A_506 = vector.broadcast %broadcast_in_dim3A_505 : i32 to vector<16xi32>
    %ge3A_507 = arith.cmpi sge, %get3A_487, %broadcast_in_dim3A_506 : vector<16xi32>
    %select_n3A_508 = arith.select %ge3A_507, %broadcast_in_dim3A_12, %broadcast_in_dim3A_14 : vector<16xi1>, vector<16xi32>
    %add3A_509 = arith.addi %add3A_504, %select_n3A_508 : vector<16xi32>
    %swap3A_510 = arith.constant 3 : i32
    %swap3A_511 = arith.index_cast %swap3A_510 : i32 to index
    %swap3A_512 = arith.constant 32 : index
    %swap3A_513 = tpu.vector_load %arg8[%swap3A_511, %swap3A_512] {strides = array<i32>} : memref<8x64xi32, #tpu.memory_space<vmem>>, vector<1x16xi32>,
    %swap3A_514 = vector.shape_cast %swap3A_513 : vector<1x16xi32> to vector<16xi32>
    %swap3A_515 = vector.shape_cast %add3A_509 : vector<16xi32> to vector<1x16xi32>
    tpu.vector_store %arg8[%swap3A_511, %swap3A_512], %swap3A_515 {strides = array<i32>} : memref<8x64xi32, #tpu.memory_space<vmem>>, vector<1x16xi32>,
    %get3A_516 = arith.constant 240 : index
    %get3A_517 = tpu.vector_load %arg7[%get3A_516] {strides = array<i32>} : memref<512xi32, #tpu.memory_space<vmem>>, vector<16xi32>,
    %get3A_518 = vector.shape_cast %get3A_517 : vector<16xi32> to vector<16xi32>
    %max3A_519 = arith.maxsi %get3A_518, %broadcast_in_dim3A_14 : vector<16xi32>
    %min3A_520 = arith.minsi %max3A_519, %broadcast_in_dim3A_16 : vector<16xi32>
    %broadcast_in_dim3A_521 = arith.constant 8 : i32
    %broadcast_in_dim3A_522 = vector.broadcast %broadcast_in_dim3A_521 : i32 to vector<16xi32>
    %ge3A_523 = arith.cmpi sge, %get3A_518, %broadcast_in_dim3A_522 : vector<16xi32>
    %select_n3A_524 = arith.select %ge3A_523, %broadcast_in_dim3A_12, %broadcast_in_dim3A_14 : vector<16xi1>, vector<16xi32>
    %add3A_525 = arith.addi %min3A_520, %select_n3A_524 : vector<16xi32>
    %broadcast_in_dim3A_526 = arith.constant 16 : i32
    %broadcast_in_dim3A_527 = vector.broadcast %broadcast_in_dim3A_526 : i32 to vector<16xi32>
    %ge3A_528 = arith.cmpi sge, %get3A_518, %broadcast_in_dim3A_527 : vector<16xi32>
    %select_n3A_529 = arith.select %ge3A_528, %broadcast_in_dim3A_12, %broadcast_in_dim3A_14 : vector<16xi1>, vector<16xi32>
    %add3A_530 = arith.addi %add3A_525, %select_n3A_529 : vector<16xi32>
    %broadcast_in_dim3A_531 = arith.constant 32 : i32
    %broadcast_in_dim3A_532 = vector.broadcast %broadcast_in_dim3A_531 : i32 to vector<16xi32>
    %ge3A_533 = arith.cmpi sge, %get3A_518, %broadcast_in_dim3A_532 : vector<16xi32>
    %select_n3A_534 = arith.select %ge3A_533, %broadcast_in_dim3A_12, %broadcast_in_dim3A_14 : vector<16xi1>, vector<16xi32>
    %add3A_535 = arith.addi %add3A_530, %select_n3A_534 : vector<16xi32>
    %broadcast_in_dim3A_536 = arith.constant 64 : i32
    %broadcast_in_dim3A_537 = vector.broadcast %broadcast_in_dim3A_536 : i32 to vector<16xi32>
    %ge3A_538 = arith.cmpi sge, %get3A_518, %broadcast_in_dim3A_537 : vector<16xi32>
    %select_n3A_539 = arith.select %ge3A_538, %broadcast_in_dim3A_12, %broadcast_in_dim3A_14 : vector<16xi1>, vector<16xi32>
    %add3A_540 = arith.addi %add3A_535, %select_n3A_539 : vector<16xi32>
    %swap3A_541 = arith.constant 3 : i32
    %swap3A_542 = arith.index_cast %swap3A_541 : i32 to index
    %swap3A_543 = arith.constant 48 : index
    %swap3A_544 = tpu.vector_load %arg8[%swap3A_542, %swap3A_543] {strides = array<i32>} : memref<8x64xi32, #tpu.memory_space<vmem>>, vector<1x16xi32>,
    %swap3A_545 = vector.shape_cast %swap3A_544 : vector<1x16xi32> to vector<16xi32>
    %swap3A_546 = vector.shape_cast %add3A_540 : vector<16xi32> to vector<1x16xi32>
    tpu.vector_store %arg8[%swap3A_542, %swap3A_543], %swap3A_546 {strides = array<i32>} : memref<8x64xi32, #tpu.memory_space<vmem>>, vector<1x16xi32>,
    %dma_start3A_547 = arith.constant 3 : i32
    %dma_start3A_548 = arith.constant 192 : i32
    %dma_start3A_549 = arith.constant 0 : i32
    %dma_start3A_550 = tpu.memref_slice %arg9[%dma_start3A_548, %dma_start3A_549] : memref<512x128xf32, #tpu.memory_space<vmem>> -> memref<64x128xf32, #tpu.memory_space<vmem>>
    %dma_start3A_551 = arith.constant 0 : i32
    %dma_start3A_552 = tpu.memref_slice %arg8[%dma_start3A_547, %dma_start3A_551] : memref<8x64xi32, #tpu.memory_space<vmem>> -> memref<1x64xi32, #tpu.memory_space<vmem>>
    %dma_start3A_553 = tpu.memref_squeeze %dma_start3A_552 : memref<1x64xi32, #tpu.memory_space<vmem>> -> memref<64xi32, #tpu.memory_space<vmem>>
    %dma_start3A_554 = arith.constant 0 : i32
    %dma_start3A_555 = arith.constant 0 : i32
    %dma_start3A_556 = tpu.memref_slice %arg6[%dma_start3A_554, %dma_start3A_555] : memref<9x128xf32, #tpu.memory_space<vmem_shared>> -> memref<9x128xf32, #tpu.memory_space<vmem_shared>>
    tpu.enqueue_indirect_dma source(%dma_start3A_556 : memref<9x128xf32, #tpu.memory_space<vmem_shared>>) target(%dma_start3A_550 : memref<64x128xf32, #tpu.memory_space<vmem>>) offsets(%dma_start3A_553 : memref<64xi32, #tpu.memory_space<vmem>>) semaphore(%arg14 : memref<!tpu.dma_semaphore, #tpu.memory_space<semaphore_mem>>)
    %get3A_557 = arith.constant 256 : index
    %get3A_558 = tpu.vector_load %arg7[%get3A_557] {strides = array<i32>} : memref<512xi32, #tpu.memory_space<vmem>>, vector<16xi32>,
    %get3A_559 = vector.shape_cast %get3A_558 : vector<16xi32> to vector<16xi32>
    %max3A_560 = arith.maxsi %get3A_559, %broadcast_in_dim3A_14 : vector<16xi32>
    %min3A_561 = arith.minsi %max3A_560, %broadcast_in_dim3A_16 : vector<16xi32>
    %broadcast_in_dim3A_562 = arith.constant 8 : i32
    %broadcast_in_dim3A_563 = vector.broadcast %broadcast_in_dim3A_562 : i32 to vector<16xi32>
    %ge3A_564 = arith.cmpi sge, %get3A_559, %broadcast_in_dim3A_563 : vector<16xi32>
    %select_n3A_565 = arith.select %ge3A_564, %broadcast_in_dim3A_12, %broadcast_in_dim3A_14 : vector<16xi1>, vector<16xi32>
    %add3A_566 = arith.addi %min3A_561, %select_n3A_565 : vector<16xi32>
    %broadcast_in_dim3A_567 = arith.constant 16 : i32
    %broadcast_in_dim3A_568 = vector.broadcast %broadcast_in_dim3A_567 : i32 to vector<16xi32>
    %ge3A_569 = arith.cmpi sge, %get3A_559, %broadcast_in_dim3A_568 : vector<16xi32>
    %select_n3A_570 = arith.select %ge3A_569, %broadcast_in_dim3A_12, %broadcast_in_dim3A_14 : vector<16xi1>, vector<16xi32>
    %add3A_571 = arith.addi %add3A_566, %select_n3A_570 : vector<16xi32>
    %broadcast_in_dim3A_572 = arith.constant 32 : i32
    %broadcast_in_dim3A_573 = vector.broadcast %broadcast_in_dim3A_572 : i32 to vector<16xi32>
    %ge3A_574 = arith.cmpi sge, %get3A_559, %broadcast_in_dim3A_573 : vector<16xi32>
    %select_n3A_575 = arith.select %ge3A_574, %broadcast_in_dim3A_12, %broadcast_in_dim3A_14 : vector<16xi1>, vector<16xi32>
    %add3A_576 = arith.addi %add3A_571, %select_n3A_575 : vector<16xi32>
    %broadcast_in_dim3A_577 = arith.constant 64 : i32
    %broadcast_in_dim3A_578 = vector.broadcast %broadcast_in_dim3A_577 : i32 to vector<16xi32>
    %ge3A_579 = arith.cmpi sge, %get3A_559, %broadcast_in_dim3A_578 : vector<16xi32>
    %select_n3A_580 = arith.select %ge3A_579, %broadcast_in_dim3A_12, %broadcast_in_dim3A_14 : vector<16xi1>, vector<16xi32>
    %add3A_581 = arith.addi %add3A_576, %select_n3A_580 : vector<16xi32>
    %swap3A_582 = arith.constant 4 : i32
    %swap3A_583 = arith.index_cast %swap3A_582 : i32 to index
    %swap3A_584 = arith.constant 0 : index
    %swap3A_585 = tpu.vector_load %arg8[%swap3A_583, %swap3A_584] {strides = array<i32>} : memref<8x64xi32, #tpu.memory_space<vmem>>, vector<1x16xi32>,
    %swap3A_586 = vector.shape_cast %swap3A_585 : vector<1x16xi32> to vector<16xi32>
    %swap3A_587 = vector.shape_cast %add3A_581 : vector<16xi32> to vector<1x16xi32>
    tpu.vector_store %arg8[%swap3A_583, %swap3A_584], %swap3A_587 {strides = array<i32>} : memref<8x64xi32, #tpu.memory_space<vmem>>, vector<1x16xi32>,
    %get3A_588 = arith.constant 272 : index
    %get3A_589 = tpu.vector_load %arg7[%get3A_588] {strides = array<i32>} : memref<512xi32, #tpu.memory_space<vmem>>, vector<16xi32>,
    %get3A_590 = vector.shape_cast %get3A_589 : vector<16xi32> to vector<16xi32>
    %max3A_591 = arith.maxsi %get3A_590, %broadcast_in_dim3A_14 : vector<16xi32>
    %min3A_592 = arith.minsi %max3A_591, %broadcast_in_dim3A_16 : vector<16xi32>
    %broadcast_in_dim3A_593 = arith.constant 8 : i32
    %broadcast_in_dim3A_594 = vector.broadcast %broadcast_in_dim3A_593 : i32 to vector<16xi32>
    %ge3A_595 = arith.cmpi sge, %get3A_590, %broadcast_in_dim3A_594 : vector<16xi32>
    %select_n3A_596 = arith.select %ge3A_595, %broadcast_in_dim3A_12, %broadcast_in_dim3A_14 : vector<16xi1>, vector<16xi32>
    %add3A_597 = arith.addi %min3A_592, %select_n3A_596 : vector<16xi32>
    %broadcast_in_dim3A_598 = arith.constant 16 : i32
    %broadcast_in_dim3A_599 = vector.broadcast %broadcast_in_dim3A_598 : i32 to vector<16xi32>
    %ge3A_600 = arith.cmpi sge, %get3A_590, %broadcast_in_dim3A_599 : vector<16xi32>
    %select_n3A_601 = arith.select %ge3A_600, %broadcast_in_dim3A_12, %broadcast_in_dim3A_14 : vector<16xi1>, vector<16xi32>
    %add3A_602 = arith.addi %add3A_597, %select_n3A_601 : vector<16xi32>
    %broadcast_in_dim3A_603 = arith.constant 32 : i32
    %broadcast_in_dim3A_604 = vector.broadcast %broadcast_in_dim3A_603 : i32 to vector<16xi32>
    %ge3A_605 = arith.cmpi sge, %get3A_590, %broadcast_in_dim3A_604 : vector<16xi32>
    %select_n3A_606 = arith.select %ge3A_605, %broadcast_in_dim3A_12, %broadcast_in_dim3A_14 : vector<16xi1>, vector<16xi32>
    %add3A_607 = arith.addi %add3A_602, %select_n3A_606 : vector<16xi32>
    %broadcast_in_dim3A_608 = arith.constant 64 : i32
    %broadcast_in_dim3A_609 = vector.broadcast %broadcast_in_dim3A_608 : i32 to vector<16xi32>
    %ge3A_610 = arith.cmpi sge, %get3A_590, %broadcast_in_dim3A_609 : vector<16xi32>
    %select_n3A_611 = arith.select %ge3A_610, %broadcast_in_dim3A_12, %broadcast_in_dim3A_14 : vector<16xi1>, vector<16xi32>
    %add3A_612 = arith.addi %add3A_607, %select_n3A_611 : vector<16xi32>
    %swap3A_613 = arith.constant 4 : i32
    %swap3A_614 = arith.index_cast %swap3A_613 : i32 to index
    %swap3A_615 = arith.constant 16 : index
    %swap3A_616 = tpu.vector_load %arg8[%swap3A_614, %swap3A_615] {strides = array<i32>} : memref<8x64xi32, #tpu.memory_space<vmem>>, vector<1x16xi32>,
    %swap3A_617 = vector.shape_cast %swap3A_616 : vector<1x16xi32> to vector<16xi32>
    %swap3A_618 = vector.shape_cast %add3A_612 : vector<16xi32> to vector<1x16xi32>
    tpu.vector_store %arg8[%swap3A_614, %swap3A_615], %swap3A_618 {strides = array<i32>} : memref<8x64xi32, #tpu.memory_space<vmem>>, vector<1x16xi32>,
    %get3A_619 = arith.constant 288 : index
    %get3A_620 = tpu.vector_load %arg7[%get3A_619] {strides = array<i32>} : memref<512xi32, #tpu.memory_space<vmem>>, vector<16xi32>,
    %get3A_621 = vector.shape_cast %get3A_620 : vector<16xi32> to vector<16xi32>
    %max3A_622 = arith.maxsi %get3A_621, %broadcast_in_dim3A_14 : vector<16xi32>
    %min3A_623 = arith.minsi %max3A_622, %broadcast_in_dim3A_16 : vector<16xi32>
    %broadcast_in_dim3A_624 = arith.constant 8 : i32
    %broadcast_in_dim3A_625 = vector.broadcast %broadcast_in_dim3A_624 : i32 to vector<16xi32>
    %ge3A_626 = arith.cmpi sge, %get3A_621, %broadcast_in_dim3A_625 : vector<16xi32>
    %select_n3A_627 = arith.select %ge3A_626, %broadcast_in_dim3A_12, %broadcast_in_dim3A_14 : vector<16xi1>, vector<16xi32>
    %add3A_628 = arith.addi %min3A_623, %select_n3A_627 : vector<16xi32>
    %broadcast_in_dim3A_629 = arith.constant 16 : i32
    %broadcast_in_dim3A_630 = vector.broadcast %broadcast_in_dim3A_629 : i32 to vector<16xi32>
    %ge3A_631 = arith.cmpi sge, %get3A_621, %broadcast_in_dim3A_630 : vector<16xi32>
    %select_n3A_632 = arith.select %ge3A_631, %broadcast_in_dim3A_12, %broadcast_in_dim3A_14 : vector<16xi1>, vector<16xi32>
    %add3A_633 = arith.addi %add3A_628, %select_n3A_632 : vector<16xi32>
    %broadcast_in_dim3A_634 = arith.constant 32 : i32
    %broadcast_in_dim3A_635 = vector.broadcast %broadcast_in_dim3A_634 : i32 to vector<16xi32>
    %ge3A_636 = arith.cmpi sge, %get3A_621, %broadcast_in_dim3A_635 : vector<16xi32>
    %select_n3A_637 = arith.select %ge3A_636, %broadcast_in_dim3A_12, %broadcast_in_dim3A_14 : vector<16xi1>, vector<16xi32>
    %add3A_638 = arith.addi %add3A_633, %select_n3A_637 : vector<16xi32>
    %broadcast_in_dim3A_639 = arith.constant 64 : i32
    %broadcast_in_dim3A_640 = vector.broadcast %broadcast_in_dim3A_639 : i32 to vector<16xi32>
    %ge3A_641 = arith.cmpi sge, %get3A_621, %broadcast_in_dim3A_640 : vector<16xi32>
    %select_n3A_642 = arith.select %ge3A_641, %broadcast_in_dim3A_12, %broadcast_in_dim3A_14 : vector<16xi1>, vector<16xi32>
    %add3A_643 = arith.addi %add3A_638, %select_n3A_642 : vector<16xi32>
    %swap3A_644 = arith.constant 4 : i32
    %swap3A_645 = arith.index_cast %swap3A_644 : i32 to index
    %swap3A_646 = arith.constant 32 : index
    %swap3A_647 = tpu.vector_load %arg8[%swap3A_645, %swap3A_646] {strides = array<i32>} : memref<8x64xi32, #tpu.memory_space<vmem>>, vector<1x16xi32>,
    %swap3A_648 = vector.shape_cast %swap3A_647 : vector<1x16xi32> to vector<16xi32>
    %swap3A_649 = vector.shape_cast %add3A_643 : vector<16xi32> to vector<1x16xi32>
    tpu.vector_store %arg8[%swap3A_645, %swap3A_646], %swap3A_649 {strides = array<i32>} : memref<8x64xi32, #tpu.memory_space<vmem>>, vector<1x16xi32>,
    %get3A_650 = arith.constant 304 : index
    %get3A_651 = tpu.vector_load %arg7[%get3A_650] {strides = array<i32>} : memref<512xi32, #tpu.memory_space<vmem>>, vector<16xi32>,
    %get3A_652 = vector.shape_cast %get3A_651 : vector<16xi32> to vector<16xi32>
    %max3A_653 = arith.maxsi %get3A_652, %broadcast_in_dim3A_14 : vector<16xi32>
    %min3A_654 = arith.minsi %max3A_653, %broadcast_in_dim3A_16 : vector<16xi32>
    %broadcast_in_dim3A_655 = arith.constant 8 : i32
    %broadcast_in_dim3A_656 = vector.broadcast %broadcast_in_dim3A_655 : i32 to vector<16xi32>
    %ge3A_657 = arith.cmpi sge, %get3A_652, %broadcast_in_dim3A_656 : vector<16xi32>
    %select_n3A_658 = arith.select %ge3A_657, %broadcast_in_dim3A_12, %broadcast_in_dim3A_14 : vector<16xi1>, vector<16xi32>
    %add3A_659 = arith.addi %min3A_654, %select_n3A_658 : vector<16xi32>
    %broadcast_in_dim3A_660 = arith.constant 16 : i32
    %broadcast_in_dim3A_661 = vector.broadcast %broadcast_in_dim3A_660 : i32 to vector<16xi32>
    %ge3A_662 = arith.cmpi sge, %get3A_652, %broadcast_in_dim3A_661 : vector<16xi32>
    %select_n3A_663 = arith.select %ge3A_662, %broadcast_in_dim3A_12, %broadcast_in_dim3A_14 : vector<16xi1>, vector<16xi32>
    %add3A_664 = arith.addi %add3A_659, %select_n3A_663 : vector<16xi32>
    %broadcast_in_dim3A_665 = arith.constant 32 : i32
    %broadcast_in_dim3A_666 = vector.broadcast %broadcast_in_dim3A_665 : i32 to vector<16xi32>
    %ge3A_667 = arith.cmpi sge, %get3A_652, %broadcast_in_dim3A_666 : vector<16xi32>
    %select_n3A_668 = arith.select %ge3A_667, %broadcast_in_dim3A_12, %broadcast_in_dim3A_14 : vector<16xi1>, vector<16xi32>
    %add3A_669 = arith.addi %add3A_664, %select_n3A_668 : vector<16xi32>
    %broadcast_in_dim3A_670 = arith.constant 64 : i32
    %broadcast_in_dim3A_671 = vector.broadcast %broadcast_in_dim3A_670 : i32 to vector<16xi32>
    %ge3A_672 = arith.cmpi sge, %get3A_652, %broadcast_in_dim3A_671 : vector<16xi32>
    %select_n3A_673 = arith.select %ge3A_672, %broadcast_in_dim3A_12, %broadcast_in_dim3A_14 : vector<16xi1>, vector<16xi32>
    %add3A_674 = arith.addi %add3A_669, %select_n3A_673 : vector<16xi32>
    %swap3A_675 = arith.constant 4 : i32
    %swap3A_676 = arith.index_cast %swap3A_675 : i32 to index
    %swap3A_677 = arith.constant 48 : index
    %swap3A_678 = tpu.vector_load %arg8[%swap3A_676, %swap3A_677] {strides = array<i32>} : memref<8x64xi32, #tpu.memory_space<vmem>>, vector<1x16xi32>,
    %swap3A_679 = vector.shape_cast %swap3A_678 : vector<1x16xi32> to vector<16xi32>
    %swap3A_680 = vector.shape_cast %add3A_674 : vector<16xi32> to vector<1x16xi32>
    tpu.vector_store %arg8[%swap3A_676, %swap3A_677], %swap3A_680 {strides = array<i32>} : memref<8x64xi32, #tpu.memory_space<vmem>>, vector<1x16xi32>,
    %dma_start3A_681 = arith.constant 4 : i32
    %dma_start3A_682 = arith.constant 256 : i32
    %dma_start3A_683 = arith.constant 0 : i32
    %dma_start3A_684 = tpu.memref_slice %arg9[%dma_start3A_682, %dma_start3A_683] : memref<512x128xf32, #tpu.memory_space<vmem>> -> memref<64x128xf32, #tpu.memory_space<vmem>>
    %dma_start3A_685 = arith.constant 0 : i32
    %dma_start3A_686 = tpu.memref_slice %arg8[%dma_start3A_681, %dma_start3A_685] : memref<8x64xi32, #tpu.memory_space<vmem>> -> memref<1x64xi32, #tpu.memory_space<vmem>>
    %dma_start3A_687 = tpu.memref_squeeze %dma_start3A_686 : memref<1x64xi32, #tpu.memory_space<vmem>> -> memref<64xi32, #tpu.memory_space<vmem>>
    %dma_start3A_688 = arith.constant 0 : i32
    %dma_start3A_689 = arith.constant 0 : i32
    %dma_start3A_690 = tpu.memref_slice %arg6[%dma_start3A_688, %dma_start3A_689] : memref<9x128xf32, #tpu.memory_space<vmem_shared>> -> memref<9x128xf32, #tpu.memory_space<vmem_shared>>
    tpu.enqueue_indirect_dma source(%dma_start3A_690 : memref<9x128xf32, #tpu.memory_space<vmem_shared>>) target(%dma_start3A_684 : memref<64x128xf32, #tpu.memory_space<vmem>>) offsets(%dma_start3A_687 : memref<64xi32, #tpu.memory_space<vmem>>) semaphore(%arg15 : memref<!tpu.dma_semaphore, #tpu.memory_space<semaphore_mem>>)
    %get3A_691 = arith.constant 320 : index
    %get3A_692 = tpu.vector_load %arg7[%get3A_691] {strides = array<i32>} : memref<512xi32, #tpu.memory_space<vmem>>, vector<16xi32>,
    %get3A_693 = vector.shape_cast %get3A_692 : vector<16xi32> to vector<16xi32>
    %max3A_694 = arith.maxsi %get3A_693, %broadcast_in_dim3A_14 : vector<16xi32>
    %min3A_695 = arith.minsi %max3A_694, %broadcast_in_dim3A_16 : vector<16xi32>
    %broadcast_in_dim3A_696 = arith.constant 8 : i32
    %broadcast_in_dim3A_697 = vector.broadcast %broadcast_in_dim3A_696 : i32 to vector<16xi32>
    %ge3A_698 = arith.cmpi sge, %get3A_693, %broadcast_in_dim3A_697 : vector<16xi32>
    %select_n3A_699 = arith.select %ge3A_698, %broadcast_in_dim3A_12, %broadcast_in_dim3A_14 : vector<16xi1>, vector<16xi32>
    %add3A_700 = arith.addi %min3A_695, %select_n3A_699 : vector<16xi32>
    %broadcast_in_dim3A_701 = arith.constant 16 : i32
    %broadcast_in_dim3A_702 = vector.broadcast %broadcast_in_dim3A_701 : i32 to vector<16xi32>
    %ge3A_703 = arith.cmpi sge, %get3A_693, %broadcast_in_dim3A_702 : vector<16xi32>
    %select_n3A_704 = arith.select %ge3A_703, %broadcast_in_dim3A_12, %broadcast_in_dim3A_14 : vector<16xi1>, vector<16xi32>
    %add3A_705 = arith.addi %add3A_700, %select_n3A_704 : vector<16xi32>
    %broadcast_in_dim3A_706 = arith.constant 32 : i32
    %broadcast_in_dim3A_707 = vector.broadcast %broadcast_in_dim3A_706 : i32 to vector<16xi32>
    %ge3A_708 = arith.cmpi sge, %get3A_693, %broadcast_in_dim3A_707 : vector<16xi32>
    %select_n3A_709 = arith.select %ge3A_708, %broadcast_in_dim3A_12, %broadcast_in_dim3A_14 : vector<16xi1>, vector<16xi32>
    %add3A_710 = arith.addi %add3A_705, %select_n3A_709 : vector<16xi32>
    %broadcast_in_dim3A_711 = arith.constant 64 : i32
    %broadcast_in_dim3A_712 = vector.broadcast %broadcast_in_dim3A_711 : i32 to vector<16xi32>
    %ge3A_713 = arith.cmpi sge, %get3A_693, %broadcast_in_dim3A_712 : vector<16xi32>
    %select_n3A_714 = arith.select %ge3A_713, %broadcast_in_dim3A_12, %broadcast_in_dim3A_14 : vector<16xi1>, vector<16xi32>
    %add3A_715 = arith.addi %add3A_710, %select_n3A_714 : vector<16xi32>
    %swap3A_716 = arith.constant 5 : i32
    %swap3A_717 = arith.index_cast %swap3A_716 : i32 to index
    %swap3A_718 = arith.constant 0 : index
    %swap3A_719 = tpu.vector_load %arg8[%swap3A_717, %swap3A_718] {strides = array<i32>} : memref<8x64xi32, #tpu.memory_space<vmem>>, vector<1x16xi32>,
    %swap3A_720 = vector.shape_cast %swap3A_719 : vector<1x16xi32> to vector<16xi32>
    %swap3A_721 = vector.shape_cast %add3A_715 : vector<16xi32> to vector<1x16xi32>
    tpu.vector_store %arg8[%swap3A_717, %swap3A_718], %swap3A_721 {strides = array<i32>} : memref<8x64xi32, #tpu.memory_space<vmem>>, vector<1x16xi32>,
    %get3A_722 = arith.constant 336 : index
    %get3A_723 = tpu.vector_load %arg7[%get3A_722] {strides = array<i32>} : memref<512xi32, #tpu.memory_space<vmem>>, vector<16xi32>,
    %get3A_724 = vector.shape_cast %get3A_723 : vector<16xi32> to vector<16xi32>
    %max3A_725 = arith.maxsi %get3A_724, %broadcast_in_dim3A_14 : vector<16xi32>
    %min3A_726 = arith.minsi %max3A_725, %broadcast_in_dim3A_16 : vector<16xi32>
    %broadcast_in_dim3A_727 = arith.constant 8 : i32
    %broadcast_in_dim3A_728 = vector.broadcast %broadcast_in_dim3A_727 : i32 to vector<16xi32>
    %ge3A_729 = arith.cmpi sge, %get3A_724, %broadcast_in_dim3A_728 : vector<16xi32>
    %select_n3A_730 = arith.select %ge3A_729, %broadcast_in_dim3A_12, %broadcast_in_dim3A_14 : vector<16xi1>, vector<16xi32>
    %add3A_731 = arith.addi %min3A_726, %select_n3A_730 : vector<16xi32>
    %broadcast_in_dim3A_732 = arith.constant 16 : i32
    %broadcast_in_dim3A_733 = vector.broadcast %broadcast_in_dim3A_732 : i32 to vector<16xi32>
    %ge3A_734 = arith.cmpi sge, %get3A_724, %broadcast_in_dim3A_733 : vector<16xi32>
    %select_n3A_735 = arith.select %ge3A_734, %broadcast_in_dim3A_12, %broadcast_in_dim3A_14 : vector<16xi1>, vector<16xi32>
    %add3A_736 = arith.addi %add3A_731, %select_n3A_735 : vector<16xi32>
    %broadcast_in_dim3A_737 = arith.constant 32 : i32
    %broadcast_in_dim3A_738 = vector.broadcast %broadcast_in_dim3A_737 : i32 to vector<16xi32>
    %ge3A_739 = arith.cmpi sge, %get3A_724, %broadcast_in_dim3A_738 : vector<16xi32>
    %select_n3A_740 = arith.select %ge3A_739, %broadcast_in_dim3A_12, %broadcast_in_dim3A_14 : vector<16xi1>, vector<16xi32>
    %add3A_741 = arith.addi %add3A_736, %select_n3A_740 : vector<16xi32>
    %broadcast_in_dim3A_742 = arith.constant 64 : i32
    %broadcast_in_dim3A_743 = vector.broadcast %broadcast_in_dim3A_742 : i32 to vector<16xi32>
    %ge3A_744 = arith.cmpi sge, %get3A_724, %broadcast_in_dim3A_743 : vector<16xi32>
    %select_n3A_745 = arith.select %ge3A_744, %broadcast_in_dim3A_12, %broadcast_in_dim3A_14 : vector<16xi1>, vector<16xi32>
    %add3A_746 = arith.addi %add3A_741, %select_n3A_745 : vector<16xi32>
    %swap3A_747 = arith.constant 5 : i32
    %swap3A_748 = arith.index_cast %swap3A_747 : i32 to index
    %swap3A_749 = arith.constant 16 : index
    %swap3A_750 = tpu.vector_load %arg8[%swap3A_748, %swap3A_749] {strides = array<i32>} : memref<8x64xi32, #tpu.memory_space<vmem>>, vector<1x16xi32>,
    %swap3A_751 = vector.shape_cast %swap3A_750 : vector<1x16xi32> to vector<16xi32>
    %swap3A_752 = vector.shape_cast %add3A_746 : vector<16xi32> to vector<1x16xi32>
    tpu.vector_store %arg8[%swap3A_748, %swap3A_749], %swap3A_752 {strides = array<i32>} : memref<8x64xi32, #tpu.memory_space<vmem>>, vector<1x16xi32>,
    %get3A_753 = arith.constant 352 : index
    %get3A_754 = tpu.vector_load %arg7[%get3A_753] {strides = array<i32>} : memref<512xi32, #tpu.memory_space<vmem>>, vector<16xi32>,
    %get3A_755 = vector.shape_cast %get3A_754 : vector<16xi32> to vector<16xi32>
    %max3A_756 = arith.maxsi %get3A_755, %broadcast_in_dim3A_14 : vector<16xi32>
    %min3A_757 = arith.minsi %max3A_756, %broadcast_in_dim3A_16 : vector<16xi32>
    %broadcast_in_dim3A_758 = arith.constant 8 : i32
    %broadcast_in_dim3A_759 = vector.broadcast %broadcast_in_dim3A_758 : i32 to vector<16xi32>
    %ge3A_760 = arith.cmpi sge, %get3A_755, %broadcast_in_dim3A_759 : vector<16xi32>
    %select_n3A_761 = arith.select %ge3A_760, %broadcast_in_dim3A_12, %broadcast_in_dim3A_14 : vector<16xi1>, vector<16xi32>
    %add3A_762 = arith.addi %min3A_757, %select_n3A_761 : vector<16xi32>
    %broadcast_in_dim3A_763 = arith.constant 16 : i32
    %broadcast_in_dim3A_764 = vector.broadcast %broadcast_in_dim3A_763 : i32 to vector<16xi32>
    %ge3A_765 = arith.cmpi sge, %get3A_755, %broadcast_in_dim3A_764 : vector<16xi32>
    %select_n3A_766 = arith.select %ge3A_765, %broadcast_in_dim3A_12, %broadcast_in_dim3A_14 : vector<16xi1>, vector<16xi32>
    %add3A_767 = arith.addi %add3A_762, %select_n3A_766 : vector<16xi32>
    %broadcast_in_dim3A_768 = arith.constant 32 : i32
    %broadcast_in_dim3A_769 = vector.broadcast %broadcast_in_dim3A_768 : i32 to vector<16xi32>
    %ge3A_770 = arith.cmpi sge, %get3A_755, %broadcast_in_dim3A_769 : vector<16xi32>
    %select_n3A_771 = arith.select %ge3A_770, %broadcast_in_dim3A_12, %broadcast_in_dim3A_14 : vector<16xi1>, vector<16xi32>
    %add3A_772 = arith.addi %add3A_767, %select_n3A_771 : vector<16xi32>
    %broadcast_in_dim3A_773 = arith.constant 64 : i32
    %broadcast_in_dim3A_774 = vector.broadcast %broadcast_in_dim3A_773 : i32 to vector<16xi32>
    %ge3A_775 = arith.cmpi sge, %get3A_755, %broadcast_in_dim3A_774 : vector<16xi32>
    %select_n3A_776 = arith.select %ge3A_775, %broadcast_in_dim3A_12, %broadcast_in_dim3A_14 : vector<16xi1>, vector<16xi32>
    %add3A_777 = arith.addi %add3A_772, %select_n3A_776 : vector<16xi32>
    %swap3A_778 = arith.constant 5 : i32
    %swap3A_779 = arith.index_cast %swap3A_778 : i32 to index
    %swap3A_780 = arith.constant 32 : index
    %swap3A_781 = tpu.vector_load %arg8[%swap3A_779, %swap3A_780] {strides = array<i32>} : memref<8x64xi32, #tpu.memory_space<vmem>>, vector<1x16xi32>,
    %swap3A_782 = vector.shape_cast %swap3A_781 : vector<1x16xi32> to vector<16xi32>
    %swap3A_783 = vector.shape_cast %add3A_777 : vector<16xi32> to vector<1x16xi32>
    tpu.vector_store %arg8[%swap3A_779, %swap3A_780], %swap3A_783 {strides = array<i32>} : memref<8x64xi32, #tpu.memory_space<vmem>>, vector<1x16xi32>,
    %get3A_784 = arith.constant 368 : index
    %get3A_785 = tpu.vector_load %arg7[%get3A_784] {strides = array<i32>} : memref<512xi32, #tpu.memory_space<vmem>>, vector<16xi32>,
    %get3A_786 = vector.shape_cast %get3A_785 : vector<16xi32> to vector<16xi32>
    %max3A_787 = arith.maxsi %get3A_786, %broadcast_in_dim3A_14 : vector<16xi32>
    %min3A_788 = arith.minsi %max3A_787, %broadcast_in_dim3A_16 : vector<16xi32>
    %broadcast_in_dim3A_789 = arith.constant 8 : i32
    %broadcast_in_dim3A_790 = vector.broadcast %broadcast_in_dim3A_789 : i32 to vector<16xi32>
    %ge3A_791 = arith.cmpi sge, %get3A_786, %broadcast_in_dim3A_790 : vector<16xi32>
    %select_n3A_792 = arith.select %ge3A_791, %broadcast_in_dim3A_12, %broadcast_in_dim3A_14 : vector<16xi1>, vector<16xi32>
    %add3A_793 = arith.addi %min3A_788, %select_n3A_792 : vector<16xi32>
    %broadcast_in_dim3A_794 = arith.constant 16 : i32
    %broadcast_in_dim3A_795 = vector.broadcast %broadcast_in_dim3A_794 : i32 to vector<16xi32>
    %ge3A_796 = arith.cmpi sge, %get3A_786, %broadcast_in_dim3A_795 : vector<16xi32>
    %select_n3A_797 = arith.select %ge3A_796, %broadcast_in_dim3A_12, %broadcast_in_dim3A_14 : vector<16xi1>, vector<16xi32>
    %add3A_798 = arith.addi %add3A_793, %select_n3A_797 : vector<16xi32>
    %broadcast_in_dim3A_799 = arith.constant 32 : i32
    %broadcast_in_dim3A_800 = vector.broadcast %broadcast_in_dim3A_799 : i32 to vector<16xi32>
    %ge3A_801 = arith.cmpi sge, %get3A_786, %broadcast_in_dim3A_800 : vector<16xi32>
    %select_n3A_802 = arith.select %ge3A_801, %broadcast_in_dim3A_12, %broadcast_in_dim3A_14 : vector<16xi1>, vector<16xi32>
    %add3A_803 = arith.addi %add3A_798, %select_n3A_802 : vector<16xi32>
    %broadcast_in_dim3A_804 = arith.constant 64 : i32
    %broadcast_in_dim3A_805 = vector.broadcast %broadcast_in_dim3A_804 : i32 to vector<16xi32>
    %ge3A_806 = arith.cmpi sge, %get3A_786, %broadcast_in_dim3A_805 : vector<16xi32>
    %select_n3A_807 = arith.select %ge3A_806, %broadcast_in_dim3A_12, %broadcast_in_dim3A_14 : vector<16xi1>, vector<16xi32>
    %add3A_808 = arith.addi %add3A_803, %select_n3A_807 : vector<16xi32>
    %swap3A_809 = arith.constant 5 : i32
    %swap3A_810 = arith.index_cast %swap3A_809 : i32 to index
    %swap3A_811 = arith.constant 48 : index
    %swap3A_812 = tpu.vector_load %arg8[%swap3A_810, %swap3A_811] {strides = array<i32>} : memref<8x64xi32, #tpu.memory_space<vmem>>, vector<1x16xi32>,
    %swap3A_813 = vector.shape_cast %swap3A_812 : vector<1x16xi32> to vector<16xi32>
    %swap3A_814 = vector.shape_cast %add3A_808 : vector<16xi32> to vector<1x16xi32>
    tpu.vector_store %arg8[%swap3A_810, %swap3A_811], %swap3A_814 {strides = array<i32>} : memref<8x64xi32, #tpu.memory_space<vmem>>, vector<1x16xi32>,
    %dma_start3A_815 = arith.constant 5 : i32
    %dma_start3A_816 = arith.constant 320 : i32
    %dma_start3A_817 = arith.constant 0 : i32
    %dma_start3A_818 = tpu.memref_slice %arg9[%dma_start3A_816, %dma_start3A_817] : memref<512x128xf32, #tpu.memory_space<vmem>> -> memref<64x128xf32, #tpu.memory_space<vmem>>
    %dma_start3A_819 = arith.constant 0 : i32
    %dma_start3A_820 = tpu.memref_slice %arg8[%dma_start3A_815, %dma_start3A_819] : memref<8x64xi32, #tpu.memory_space<vmem>> -> memref<1x64xi32, #tpu.memory_space<vmem>>
    %dma_start3A_821 = tpu.memref_squeeze %dma_start3A_820 : memref<1x64xi32, #tpu.memory_space<vmem>> -> memref<64xi32, #tpu.memory_space<vmem>>
    %dma_start3A_822 = arith.constant 0 : i32
    %dma_start3A_823 = arith.constant 0 : i32
    %dma_start3A_824 = tpu.memref_slice %arg6[%dma_start3A_822, %dma_start3A_823] : memref<9x128xf32, #tpu.memory_space<vmem_shared>> -> memref<9x128xf32, #tpu.memory_space<vmem_shared>>
    tpu.enqueue_indirect_dma source(%dma_start3A_824 : memref<9x128xf32, #tpu.memory_space<vmem_shared>>) target(%dma_start3A_818 : memref<64x128xf32, #tpu.memory_space<vmem>>) offsets(%dma_start3A_821 : memref<64xi32, #tpu.memory_space<vmem>>) semaphore(%arg16 : memref<!tpu.dma_semaphore, #tpu.memory_space<semaphore_mem>>)
    %get3A_825 = arith.constant 384 : index
    %get3A_826 = tpu.vector_load %arg7[%get3A_825] {strides = array<i32>} : memref<512xi32, #tpu.memory_space<vmem>>, vector<16xi32>,
    %get3A_827 = vector.shape_cast %get3A_826 : vector<16xi32> to vector<16xi32>
    %max3A_828 = arith.maxsi %get3A_827, %broadcast_in_dim3A_14 : vector<16xi32>
    %min3A_829 = arith.minsi %max3A_828, %broadcast_in_dim3A_16 : vector<16xi32>
    %broadcast_in_dim3A_830 = arith.constant 8 : i32
    %broadcast_in_dim3A_831 = vector.broadcast %broadcast_in_dim3A_830 : i32 to vector<16xi32>
    %ge3A_832 = arith.cmpi sge, %get3A_827, %broadcast_in_dim3A_831 : vector<16xi32>
    %select_n3A_833 = arith.select %ge3A_832, %broadcast_in_dim3A_12, %broadcast_in_dim3A_14 : vector<16xi1>, vector<16xi32>
    %add3A_834 = arith.addi %min3A_829, %select_n3A_833 : vector<16xi32>
    %broadcast_in_dim3A_835 = arith.constant 16 : i32
    %broadcast_in_dim3A_836 = vector.broadcast %broadcast_in_dim3A_835 : i32 to vector<16xi32>
    %ge3A_837 = arith.cmpi sge, %get3A_827, %broadcast_in_dim3A_836 : vector<16xi32>
    %select_n3A_838 = arith.select %ge3A_837, %broadcast_in_dim3A_12, %broadcast_in_dim3A_14 : vector<16xi1>, vector<16xi32>
    %add3A_839 = arith.addi %add3A_834, %select_n3A_838 : vector<16xi32>
    %broadcast_in_dim3A_840 = arith.constant 32 : i32
    %broadcast_in_dim3A_841 = vector.broadcast %broadcast_in_dim3A_840 : i32 to vector<16xi32>
    %ge3A_842 = arith.cmpi sge, %get3A_827, %broadcast_in_dim3A_841 : vector<16xi32>
    %select_n3A_843 = arith.select %ge3A_842, %broadcast_in_dim3A_12, %broadcast_in_dim3A_14 : vector<16xi1>, vector<16xi32>
    %add3A_844 = arith.addi %add3A_839, %select_n3A_843 : vector<16xi32>
    %broadcast_in_dim3A_845 = arith.constant 64 : i32
    %broadcast_in_dim3A_846 = vector.broadcast %broadcast_in_dim3A_845 : i32 to vector<16xi32>
    %ge3A_847 = arith.cmpi sge, %get3A_827, %broadcast_in_dim3A_846 : vector<16xi32>
    %select_n3A_848 = arith.select %ge3A_847, %broadcast_in_dim3A_12, %broadcast_in_dim3A_14 : vector<16xi1>, vector<16xi32>
    %add3A_849 = arith.addi %add3A_844, %select_n3A_848 : vector<16xi32>
    %swap3A_850 = arith.constant 6 : i32
    %swap3A_851 = arith.index_cast %swap3A_850 : i32 to index
    %swap3A_852 = arith.constant 0 : index
    %swap3A_853 = tpu.vector_load %arg8[%swap3A_851, %swap3A_852] {strides = array<i32>} : memref<8x64xi32, #tpu.memory_space<vmem>>, vector<1x16xi32>,
    %swap3A_854 = vector.shape_cast %swap3A_853 : vector<1x16xi32> to vector<16xi32>
    %swap3A_855 = vector.shape_cast %add3A_849 : vector<16xi32> to vector<1x16xi32>
    tpu.vector_store %arg8[%swap3A_851, %swap3A_852], %swap3A_855 {strides = array<i32>} : memref<8x64xi32, #tpu.memory_space<vmem>>, vector<1x16xi32>,
    %get3A_856 = arith.constant 400 : index
    %get3A_857 = tpu.vector_load %arg7[%get3A_856] {strides = array<i32>} : memref<512xi32, #tpu.memory_space<vmem>>, vector<16xi32>,
    %get3A_858 = vector.shape_cast %get3A_857 : vector<16xi32> to vector<16xi32>
    %max3A_859 = arith.maxsi %get3A_858, %broadcast_in_dim3A_14 : vector<16xi32>
    %min3A_860 = arith.minsi %max3A_859, %broadcast_in_dim3A_16 : vector<16xi32>
    %broadcast_in_dim3A_861 = arith.constant 8 : i32
    %broadcast_in_dim3A_862 = vector.broadcast %broadcast_in_dim3A_861 : i32 to vector<16xi32>
    %ge3A_863 = arith.cmpi sge, %get3A_858, %broadcast_in_dim3A_862 : vector<16xi32>
    %select_n3A_864 = arith.select %ge3A_863, %broadcast_in_dim3A_12, %broadcast_in_dim3A_14 : vector<16xi1>, vector<16xi32>
    %add3A_865 = arith.addi %min3A_860, %select_n3A_864 : vector<16xi32>
    %broadcast_in_dim3A_866 = arith.constant 16 : i32
    %broadcast_in_dim3A_867 = vector.broadcast %broadcast_in_dim3A_866 : i32 to vector<16xi32>
    %ge3A_868 = arith.cmpi sge, %get3A_858, %broadcast_in_dim3A_867 : vector<16xi32>
    %select_n3A_869 = arith.select %ge3A_868, %broadcast_in_dim3A_12, %broadcast_in_dim3A_14 : vector<16xi1>, vector<16xi32>
    %add3A_870 = arith.addi %add3A_865, %select_n3A_869 : vector<16xi32>
    %broadcast_in_dim3A_871 = arith.constant 32 : i32
    %broadcast_in_dim3A_872 = vector.broadcast %broadcast_in_dim3A_871 : i32 to vector<16xi32>
    %ge3A_873 = arith.cmpi sge, %get3A_858, %broadcast_in_dim3A_872 : vector<16xi32>
    %select_n3A_874 = arith.select %ge3A_873, %broadcast_in_dim3A_12, %broadcast_in_dim3A_14 : vector<16xi1>, vector<16xi32>
    %add3A_875 = arith.addi %add3A_870, %select_n3A_874 : vector<16xi32>
    %broadcast_in_dim3A_876 = arith.constant 64 : i32
    %broadcast_in_dim3A_877 = vector.broadcast %broadcast_in_dim3A_876 : i32 to vector<16xi32>
    %ge3A_878 = arith.cmpi sge, %get3A_858, %broadcast_in_dim3A_877 : vector<16xi32>
    %select_n3A_879 = arith.select %ge3A_878, %broadcast_in_dim3A_12, %broadcast_in_dim3A_14 : vector<16xi1>, vector<16xi32>
    %add3A_880 = arith.addi %add3A_875, %select_n3A_879 : vector<16xi32>
    %swap3A_881 = arith.constant 6 : i32
    %swap3A_882 = arith.index_cast %swap3A_881 : i32 to index
    %swap3A_883 = arith.constant 16 : index
    %swap3A_884 = tpu.vector_load %arg8[%swap3A_882, %swap3A_883] {strides = array<i32>} : memref<8x64xi32, #tpu.memory_space<vmem>>, vector<1x16xi32>,
    %swap3A_885 = vector.shape_cast %swap3A_884 : vector<1x16xi32> to vector<16xi32>
    %swap3A_886 = vector.shape_cast %add3A_880 : vector<16xi32> to vector<1x16xi32>
    tpu.vector_store %arg8[%swap3A_882, %swap3A_883], %swap3A_886 {strides = array<i32>} : memref<8x64xi32, #tpu.memory_space<vmem>>, vector<1x16xi32>,
    %get3A_887 = arith.constant 416 : index
    %get3A_888 = tpu.vector_load %arg7[%get3A_887] {strides = array<i32>} : memref<512xi32, #tpu.memory_space<vmem>>, vector<16xi32>,
    %get3A_889 = vector.shape_cast %get3A_888 : vector<16xi32> to vector<16xi32>
    %max3A_890 = arith.maxsi %get3A_889, %broadcast_in_dim3A_14 : vector<16xi32>
    %min3A_891 = arith.minsi %max3A_890, %broadcast_in_dim3A_16 : vector<16xi32>
    %broadcast_in_dim3A_892 = arith.constant 8 : i32
    %broadcast_in_dim3A_893 = vector.broadcast %broadcast_in_dim3A_892 : i32 to vector<16xi32>
    %ge3A_894 = arith.cmpi sge, %get3A_889, %broadcast_in_dim3A_893 : vector<16xi32>
    %select_n3A_895 = arith.select %ge3A_894, %broadcast_in_dim3A_12, %broadcast_in_dim3A_14 : vector<16xi1>, vector<16xi32>
    %add3A_896 = arith.addi %min3A_891, %select_n3A_895 : vector<16xi32>
    %broadcast_in_dim3A_897 = arith.constant 16 : i32
    %broadcast_in_dim3A_898 = vector.broadcast %broadcast_in_dim3A_897 : i32 to vector<16xi32>
    %ge3A_899 = arith.cmpi sge, %get3A_889, %broadcast_in_dim3A_898 : vector<16xi32>
    %select_n3A_900 = arith.select %ge3A_899, %broadcast_in_dim3A_12, %broadcast_in_dim3A_14 : vector<16xi1>, vector<16xi32>
    %add3A_901 = arith.addi %add3A_896, %select_n3A_900 : vector<16xi32>
    %broadcast_in_dim3A_902 = arith.constant 32 : i32
    %broadcast_in_dim3A_903 = vector.broadcast %broadcast_in_dim3A_902 : i32 to vector<16xi32>
    %ge3A_904 = arith.cmpi sge, %get3A_889, %broadcast_in_dim3A_903 : vector<16xi32>
    %select_n3A_905 = arith.select %ge3A_904, %broadcast_in_dim3A_12, %broadcast_in_dim3A_14 : vector<16xi1>, vector<16xi32>
    %add3A_906 = arith.addi %add3A_901, %select_n3A_905 : vector<16xi32>
    %broadcast_in_dim3A_907 = arith.constant 64 : i32
    %broadcast_in_dim3A_908 = vector.broadcast %broadcast_in_dim3A_907 : i32 to vector<16xi32>
    %ge3A_909 = arith.cmpi sge, %get3A_889, %broadcast_in_dim3A_908 : vector<16xi32>
    %select_n3A_910 = arith.select %ge3A_909, %broadcast_in_dim3A_12, %broadcast_in_dim3A_14 : vector<16xi1>, vector<16xi32>
    %add3A_911 = arith.addi %add3A_906, %select_n3A_910 : vector<16xi32>
    %swap3A_912 = arith.constant 6 : i32
    %swap3A_913 = arith.index_cast %swap3A_912 : i32 to index
    %swap3A_914 = arith.constant 32 : index
    %swap3A_915 = tpu.vector_load %arg8[%swap3A_913, %swap3A_914] {strides = array<i32>} : memref<8x64xi32, #tpu.memory_space<vmem>>, vector<1x16xi32>,
    %swap3A_916 = vector.shape_cast %swap3A_915 : vector<1x16xi32> to vector<16xi32>
    %swap3A_917 = vector.shape_cast %add3A_911 : vector<16xi32> to vector<1x16xi32>
    tpu.vector_store %arg8[%swap3A_913, %swap3A_914], %swap3A_917 {strides = array<i32>} : memref<8x64xi32, #tpu.memory_space<vmem>>, vector<1x16xi32>,
    %get3A_918 = arith.constant 432 : index
    %get3A_919 = tpu.vector_load %arg7[%get3A_918] {strides = array<i32>} : memref<512xi32, #tpu.memory_space<vmem>>, vector<16xi32>,
    %get3A_920 = vector.shape_cast %get3A_919 : vector<16xi32> to vector<16xi32>
    %max3A_921 = arith.maxsi %get3A_920, %broadcast_in_dim3A_14 : vector<16xi32>
    %min3A_922 = arith.minsi %max3A_921, %broadcast_in_dim3A_16 : vector<16xi32>
    %broadcast_in_dim3A_923 = arith.constant 8 : i32
    %broadcast_in_dim3A_924 = vector.broadcast %broadcast_in_dim3A_923 : i32 to vector<16xi32>
    %ge3A_925 = arith.cmpi sge, %get3A_920, %broadcast_in_dim3A_924 : vector<16xi32>
    %select_n3A_926 = arith.select %ge3A_925, %broadcast_in_dim3A_12, %broadcast_in_dim3A_14 : vector<16xi1>, vector<16xi32>
    %add3A_927 = arith.addi %min3A_922, %select_n3A_926 : vector<16xi32>
    %broadcast_in_dim3A_928 = arith.constant 16 : i32
    %broadcast_in_dim3A_929 = vector.broadcast %broadcast_in_dim3A_928 : i32 to vector<16xi32>
    %ge3A_930 = arith.cmpi sge, %get3A_920, %broadcast_in_dim3A_929 : vector<16xi32>
    %select_n3A_931 = arith.select %ge3A_930, %broadcast_in_dim3A_12, %broadcast_in_dim3A_14 : vector<16xi1>, vector<16xi32>
    %add3A_932 = arith.addi %add3A_927, %select_n3A_931 : vector<16xi32>
    %broadcast_in_dim3A_933 = arith.constant 32 : i32
    %broadcast_in_dim3A_934 = vector.broadcast %broadcast_in_dim3A_933 : i32 to vector<16xi32>
    %ge3A_935 = arith.cmpi sge, %get3A_920, %broadcast_in_dim3A_934 : vector<16xi32>
    %select_n3A_936 = arith.select %ge3A_935, %broadcast_in_dim3A_12, %broadcast_in_dim3A_14 : vector<16xi1>, vector<16xi32>
    %add3A_937 = arith.addi %add3A_932, %select_n3A_936 : vector<16xi32>
    %broadcast_in_dim3A_938 = arith.constant 64 : i32
    %broadcast_in_dim3A_939 = vector.broadcast %broadcast_in_dim3A_938 : i32 to vector<16xi32>
    %ge3A_940 = arith.cmpi sge, %get3A_920, %broadcast_in_dim3A_939 : vector<16xi32>
    %select_n3A_941 = arith.select %ge3A_940, %broadcast_in_dim3A_12, %broadcast_in_dim3A_14 : vector<16xi1>, vector<16xi32>
    %add3A_942 = arith.addi %add3A_937, %select_n3A_941 : vector<16xi32>
    %swap3A_943 = arith.constant 6 : i32
    %swap3A_944 = arith.index_cast %swap3A_943 : i32 to index
    %swap3A_945 = arith.constant 48 : index
    %swap3A_946 = tpu.vector_load %arg8[%swap3A_944, %swap3A_945] {strides = array<i32>} : memref<8x64xi32, #tpu.memory_space<vmem>>, vector<1x16xi32>,
    %swap3A_947 = vector.shape_cast %swap3A_946 : vector<1x16xi32> to vector<16xi32>
    %swap3A_948 = vector.shape_cast %add3A_942 : vector<16xi32> to vector<1x16xi32>
    tpu.vector_store %arg8[%swap3A_944, %swap3A_945], %swap3A_948 {strides = array<i32>} : memref<8x64xi32, #tpu.memory_space<vmem>>, vector<1x16xi32>,
    %dma_start3A_949 = arith.constant 6 : i32
    %dma_start3A_950 = arith.constant 384 : i32
    %dma_start3A_951 = arith.constant 0 : i32
    %dma_start3A_952 = tpu.memref_slice %arg9[%dma_start3A_950, %dma_start3A_951] : memref<512x128xf32, #tpu.memory_space<vmem>> -> memref<64x128xf32, #tpu.memory_space<vmem>>
    %dma_start3A_953 = arith.constant 0 : i32
    %dma_start3A_954 = tpu.memref_slice %arg8[%dma_start3A_949, %dma_start3A_953] : memref<8x64xi32, #tpu.memory_space<vmem>> -> memref<1x64xi32, #tpu.memory_space<vmem>>
    %dma_start3A_955 = tpu.memref_squeeze %dma_start3A_954 : memref<1x64xi32, #tpu.memory_space<vmem>> -> memref<64xi32, #tpu.memory_space<vmem>>
    %dma_start3A_956 = arith.constant 0 : i32
    %dma_start3A_957 = arith.constant 0 : i32
    %dma_start3A_958 = tpu.memref_slice %arg6[%dma_start3A_956, %dma_start3A_957] : memref<9x128xf32, #tpu.memory_space<vmem_shared>> -> memref<9x128xf32, #tpu.memory_space<vmem_shared>>
    tpu.enqueue_indirect_dma source(%dma_start3A_958 : memref<9x128xf32, #tpu.memory_space<vmem_shared>>) target(%dma_start3A_952 : memref<64x128xf32, #tpu.memory_space<vmem>>) offsets(%dma_start3A_955 : memref<64xi32, #tpu.memory_space<vmem>>) semaphore(%arg17 : memref<!tpu.dma_semaphore, #tpu.memory_space<semaphore_mem>>)
    %get3A_959 = arith.constant 448 : index
    %get3A_960 = tpu.vector_load %arg7[%get3A_959] {strides = array<i32>} : memref<512xi32, #tpu.memory_space<vmem>>, vector<16xi32>,
    %get3A_961 = vector.shape_cast %get3A_960 : vector<16xi32> to vector<16xi32>
    %max3A_962 = arith.maxsi %get3A_961, %broadcast_in_dim3A_14 : vector<16xi32>
    %min3A_963 = arith.minsi %max3A_962, %broadcast_in_dim3A_16 : vector<16xi32>
    %broadcast_in_dim3A_964 = arith.constant 8 : i32
    %broadcast_in_dim3A_965 = vector.broadcast %broadcast_in_dim3A_964 : i32 to vector<16xi32>
    %ge3A_966 = arith.cmpi sge, %get3A_961, %broadcast_in_dim3A_965 : vector<16xi32>
    %select_n3A_967 = arith.select %ge3A_966, %broadcast_in_dim3A_12, %broadcast_in_dim3A_14 : vector<16xi1>, vector<16xi32>
    %add3A_968 = arith.addi %min3A_963, %select_n3A_967 : vector<16xi32>
    %broadcast_in_dim3A_969 = arith.constant 16 : i32
    %broadcast_in_dim3A_970 = vector.broadcast %broadcast_in_dim3A_969 : i32 to vector<16xi32>
    %ge3A_971 = arith.cmpi sge, %get3A_961, %broadcast_in_dim3A_970 : vector<16xi32>
    %select_n3A_972 = arith.select %ge3A_971, %broadcast_in_dim3A_12, %broadcast_in_dim3A_14 : vector<16xi1>, vector<16xi32>
    %add3A_973 = arith.addi %add3A_968, %select_n3A_972 : vector<16xi32>
    %broadcast_in_dim3A_974 = arith.constant 32 : i32
    %broadcast_in_dim3A_975 = vector.broadcast %broadcast_in_dim3A_974 : i32 to vector<16xi32>
    %ge3A_976 = arith.cmpi sge, %get3A_961, %broadcast_in_dim3A_975 : vector<16xi32>
    %select_n3A_977 = arith.select %ge3A_976, %broadcast_in_dim3A_12, %broadcast_in_dim3A_14 : vector<16xi1>, vector<16xi32>
    %add3A_978 = arith.addi %add3A_973, %select_n3A_977 : vector<16xi32>
    %broadcast_in_dim3A_979 = arith.constant 64 : i32
    %broadcast_in_dim3A_980 = vector.broadcast %broadcast_in_dim3A_979 : i32 to vector<16xi32>
    %ge3A_981 = arith.cmpi sge, %get3A_961, %broadcast_in_dim3A_980 : vector<16xi32>
    %select_n3A_982 = arith.select %ge3A_981, %broadcast_in_dim3A_12, %broadcast_in_dim3A_14 : vector<16xi1>, vector<16xi32>
    %add3A_983 = arith.addi %add3A_978, %select_n3A_982 : vector<16xi32>
    %swap3A_984 = arith.constant 7 : i32
    %swap3A_985 = arith.index_cast %swap3A_984 : i32 to index
    %swap3A_986 = arith.constant 0 : index
    %swap3A_987 = tpu.vector_load %arg8[%swap3A_985, %swap3A_986] {strides = array<i32>} : memref<8x64xi32, #tpu.memory_space<vmem>>, vector<1x16xi32>,
    %swap3A_988 = vector.shape_cast %swap3A_987 : vector<1x16xi32> to vector<16xi32>
    %swap3A_989 = vector.shape_cast %add3A_983 : vector<16xi32> to vector<1x16xi32>
    tpu.vector_store %arg8[%swap3A_985, %swap3A_986], %swap3A_989 {strides = array<i32>} : memref<8x64xi32, #tpu.memory_space<vmem>>, vector<1x16xi32>,
    %get3A_990 = arith.constant 464 : index
    %get3A_991 = tpu.vector_load %arg7[%get3A_990] {strides = array<i32>} : memref<512xi32, #tpu.memory_space<vmem>>, vector<16xi32>,
    %get3A_992 = vector.shape_cast %get3A_991 : vector<16xi32> to vector<16xi32>
    %max3A_993 = arith.maxsi %get3A_992, %broadcast_in_dim3A_14 : vector<16xi32>
    %min3A_994 = arith.minsi %max3A_993, %broadcast_in_dim3A_16 : vector<16xi32>
    %broadcast_in_dim3A_995 = arith.constant 8 : i32
    %broadcast_in_dim3A_996 = vector.broadcast %broadcast_in_dim3A_995 : i32 to vector<16xi32>
    %ge3A_997 = arith.cmpi sge, %get3A_992, %broadcast_in_dim3A_996 : vector<16xi32>
    %select_n3A_998 = arith.select %ge3A_997, %broadcast_in_dim3A_12, %broadcast_in_dim3A_14 : vector<16xi1>, vector<16xi32>
    %add3A_999 = arith.addi %min3A_994, %select_n3A_998 : vector<16xi32>
    %broadcast_in_dim3A_1000 = arith.constant 16 : i32
    %broadcast_in_dim3A_1001 = vector.broadcast %broadcast_in_dim3A_1000 : i32 to vector<16xi32>
    %ge3A_1002 = arith.cmpi sge, %get3A_992, %broadcast_in_dim3A_1001 : vector<16xi32>
    %select_n3A_1003 = arith.select %ge3A_1002, %broadcast_in_dim3A_12, %broadcast_in_dim3A_14 : vector<16xi1>, vector<16xi32>
    %add3A_1004 = arith.addi %add3A_999, %select_n3A_1003 : vector<16xi32>
    %broadcast_in_dim3A_1005 = arith.constant 32 : i32
    %broadcast_in_dim3A_1006 = vector.broadcast %broadcast_in_dim3A_1005 : i32 to vector<16xi32>
    %ge3A_1007 = arith.cmpi sge, %get3A_992, %broadcast_in_dim3A_1006 : vector<16xi32>
    %select_n3A_1008 = arith.select %ge3A_1007, %broadcast_in_dim3A_12, %broadcast_in_dim3A_14 : vector<16xi1>, vector<16xi32>
    %add3A_1009 = arith.addi %add3A_1004, %select_n3A_1008 : vector<16xi32>
    %broadcast_in_dim3A_1010 = arith.constant 64 : i32
    %broadcast_in_dim3A_1011 = vector.broadcast %broadcast_in_dim3A_1010 : i32 to vector<16xi32>
    %ge3A_1012 = arith.cmpi sge, %get3A_992, %broadcast_in_dim3A_1011 : vector<16xi32>
    %select_n3A_1013 = arith.select %ge3A_1012, %broadcast_in_dim3A_12, %broadcast_in_dim3A_14 : vector<16xi1>, vector<16xi32>
    %add3A_1014 = arith.addi %add3A_1009, %select_n3A_1013 : vector<16xi32>
    %swap3A_1015 = arith.constant 7 : i32
    %swap3A_1016 = arith.index_cast %swap3A_1015 : i32 to index
    %swap3A_1017 = arith.constant 16 : index
    %swap3A_1018 = tpu.vector_load %arg8[%swap3A_1016, %swap3A_1017] {strides = array<i32>} : memref<8x64xi32, #tpu.memory_space<vmem>>, vector<1x16xi32>,
    %swap3A_1019 = vector.shape_cast %swap3A_1018 : vector<1x16xi32> to vector<16xi32>
    %swap3A_1020 = vector.shape_cast %add3A_1014 : vector<16xi32> to vector<1x16xi32>
    tpu.vector_store %arg8[%swap3A_1016, %swap3A_1017], %swap3A_1020 {strides = array<i32>} : memref<8x64xi32, #tpu.memory_space<vmem>>, vector<1x16xi32>,
    %get3A_1021 = arith.constant 480 : index
    %get3A_1022 = tpu.vector_load %arg7[%get3A_1021] {strides = array<i32>} : memref<512xi32, #tpu.memory_space<vmem>>, vector<16xi32>,
    %get3A_1023 = vector.shape_cast %get3A_1022 : vector<16xi32> to vector<16xi32>
    %max3A_1024 = arith.maxsi %get3A_1023, %broadcast_in_dim3A_14 : vector<16xi32>
    %min3A_1025 = arith.minsi %max3A_1024, %broadcast_in_dim3A_16 : vector<16xi32>
    %broadcast_in_dim3A_1026 = arith.constant 8 : i32
    %broadcast_in_dim3A_1027 = vector.broadcast %broadcast_in_dim3A_1026 : i32 to vector<16xi32>
    %ge3A_1028 = arith.cmpi sge, %get3A_1023, %broadcast_in_dim3A_1027 : vector<16xi32>
    %select_n3A_1029 = arith.select %ge3A_1028, %broadcast_in_dim3A_12, %broadcast_in_dim3A_14 : vector<16xi1>, vector<16xi32>
    %add3A_1030 = arith.addi %min3A_1025, %select_n3A_1029 : vector<16xi32>
    %broadcast_in_dim3A_1031 = arith.constant 16 : i32
    %broadcast_in_dim3A_1032 = vector.broadcast %broadcast_in_dim3A_1031 : i32 to vector<16xi32>
    %ge3A_1033 = arith.cmpi sge, %get3A_1023, %broadcast_in_dim3A_1032 : vector<16xi32>
    %select_n3A_1034 = arith.select %ge3A_1033, %broadcast_in_dim3A_12, %broadcast_in_dim3A_14 : vector<16xi1>, vector<16xi32>
    %add3A_1035 = arith.addi %add3A_1030, %select_n3A_1034 : vector<16xi32>
    %broadcast_in_dim3A_1036 = arith.constant 32 : i32
    %broadcast_in_dim3A_1037 = vector.broadcast %broadcast_in_dim3A_1036 : i32 to vector<16xi32>
    %ge3A_1038 = arith.cmpi sge, %get3A_1023, %broadcast_in_dim3A_1037 : vector<16xi32>
    %select_n3A_1039 = arith.select %ge3A_1038, %broadcast_in_dim3A_12, %broadcast_in_dim3A_14 : vector<16xi1>, vector<16xi32>
    %add3A_1040 = arith.addi %add3A_1035, %select_n3A_1039 : vector<16xi32>
    %broadcast_in_dim3A_1041 = arith.constant 64 : i32
    %broadcast_in_dim3A_1042 = vector.broadcast %broadcast_in_dim3A_1041 : i32 to vector<16xi32>
    %ge3A_1043 = arith.cmpi sge, %get3A_1023, %broadcast_in_dim3A_1042 : vector<16xi32>
    %select_n3A_1044 = arith.select %ge3A_1043, %broadcast_in_dim3A_12, %broadcast_in_dim3A_14 : vector<16xi1>, vector<16xi32>
    %add3A_1045 = arith.addi %add3A_1040, %select_n3A_1044 : vector<16xi32>
    %swap3A_1046 = arith.constant 7 : i32
    %swap3A_1047 = arith.index_cast %swap3A_1046 : i32 to index
    %swap3A_1048 = arith.constant 32 : index
    %swap3A_1049 = tpu.vector_load %arg8[%swap3A_1047, %swap3A_1048] {strides = array<i32>} : memref<8x64xi32, #tpu.memory_space<vmem>>, vector<1x16xi32>,
    %swap3A_1050 = vector.shape_cast %swap3A_1049 : vector<1x16xi32> to vector<16xi32>
    %swap3A_1051 = vector.shape_cast %add3A_1045 : vector<16xi32> to vector<1x16xi32>
    tpu.vector_store %arg8[%swap3A_1047, %swap3A_1048], %swap3A_1051 {strides = array<i32>} : memref<8x64xi32, #tpu.memory_space<vmem>>, vector<1x16xi32>,
    %get3A_1052 = arith.constant 496 : index
    %get3A_1053 = tpu.vector_load %arg7[%get3A_1052] {strides = array<i32>} : memref<512xi32, #tpu.memory_space<vmem>>, vector<16xi32>,
    %get3A_1054 = vector.shape_cast %get3A_1053 : vector<16xi32> to vector<16xi32>
    %max3A_1055 = arith.maxsi %get3A_1054, %broadcast_in_dim3A_14 : vector<16xi32>
    %min3A_1056 = arith.minsi %max3A_1055, %broadcast_in_dim3A_16 : vector<16xi32>
    %broadcast_in_dim3A_1057 = arith.constant 8 : i32
    %broadcast_in_dim3A_1058 = vector.broadcast %broadcast_in_dim3A_1057 : i32 to vector<16xi32>
    %ge3A_1059 = arith.cmpi sge, %get3A_1054, %broadcast_in_dim3A_1058 : vector<16xi32>
    %select_n3A_1060 = arith.select %ge3A_1059, %broadcast_in_dim3A_12, %broadcast_in_dim3A_14 : vector<16xi1>, vector<16xi32>
    %add3A_1061 = arith.addi %min3A_1056, %select_n3A_1060 : vector<16xi32>
    %broadcast_in_dim3A_1062 = arith.constant 16 : i32
    %broadcast_in_dim3A_1063 = vector.broadcast %broadcast_in_dim3A_1062 : i32 to vector<16xi32>
    %ge3A_1064 = arith.cmpi sge, %get3A_1054, %broadcast_in_dim3A_1063 : vector<16xi32>
    %select_n3A_1065 = arith.select %ge3A_1064, %broadcast_in_dim3A_12, %broadcast_in_dim3A_14 : vector<16xi1>, vector<16xi32>
    %add3A_1066 = arith.addi %add3A_1061, %select_n3A_1065 : vector<16xi32>
    %broadcast_in_dim3A_1067 = arith.constant 32 : i32
    %broadcast_in_dim3A_1068 = vector.broadcast %broadcast_in_dim3A_1067 : i32 to vector<16xi32>
    %ge3A_1069 = arith.cmpi sge, %get3A_1054, %broadcast_in_dim3A_1068 : vector<16xi32>
    %select_n3A_1070 = arith.select %ge3A_1069, %broadcast_in_dim3A_12, %broadcast_in_dim3A_14 : vector<16xi1>, vector<16xi32>
    %add3A_1071 = arith.addi %add3A_1066, %select_n3A_1070 : vector<16xi32>
    %broadcast_in_dim3A_1072 = arith.constant 64 : i32
    %broadcast_in_dim3A_1073 = vector.broadcast %broadcast_in_dim3A_1072 : i32 to vector<16xi32>
    %ge3A_1074 = arith.cmpi sge, %get3A_1054, %broadcast_in_dim3A_1073 : vector<16xi32>
    %select_n3A_1075 = arith.select %ge3A_1074, %broadcast_in_dim3A_12, %broadcast_in_dim3A_14 : vector<16xi1>, vector<16xi32>
    %add3A_1076 = arith.addi %add3A_1071, %select_n3A_1075 : vector<16xi32>
    %swap3A_1077 = arith.constant 7 : i32
    %swap3A_1078 = arith.index_cast %swap3A_1077 : i32 to index
    %swap3A_1079 = arith.constant 48 : index
    %swap3A_1080 = tpu.vector_load %arg8[%swap3A_1078, %swap3A_1079] {strides = array<i32>} : memref<8x64xi32, #tpu.memory_space<vmem>>, vector<1x16xi32>,
    %swap3A_1081 = vector.shape_cast %swap3A_1080 : vector<1x16xi32> to vector<16xi32>
    %swap3A_1082 = vector.shape_cast %add3A_1076 : vector<16xi32> to vector<1x16xi32>
    tpu.vector_store %arg8[%swap3A_1078, %swap3A_1079], %swap3A_1082 {strides = array<i32>} : memref<8x64xi32, #tpu.memory_space<vmem>>, vector<1x16xi32>,
    %dma_start3A_1083 = arith.constant 7 : i32
    %dma_start3A_1084 = arith.constant 448 : i32
    %dma_start3A_1085 = arith.constant 0 : i32
    %dma_start3A_1086 = tpu.memref_slice %arg9[%dma_start3A_1084, %dma_start3A_1085] : memref<512x128xf32, #tpu.memory_space<vmem>> -> memref<64x128xf32, #tpu.memory_space<vmem>>
    %dma_start3A_1087 = arith.constant 0 : i32
    %dma_start3A_1088 = tpu.memref_slice %arg8[%dma_start3A_1083, %dma_start3A_1087] : memref<8x64xi32, #tpu.memory_space<vmem>> -> memref<1x64xi32, #tpu.memory_space<vmem>>
    %dma_start3A_1089 = tpu.memref_squeeze %dma_start3A_1088 : memref<1x64xi32, #tpu.memory_space<vmem>> -> memref<64xi32, #tpu.memory_space<vmem>>
    %dma_start3A_1090 = arith.constant 0 : i32
    %dma_start3A_1091 = arith.constant 0 : i32
    %dma_start3A_1092 = tpu.memref_slice %arg6[%dma_start3A_1090, %dma_start3A_1091] : memref<9x128xf32, #tpu.memory_space<vmem_shared>> -> memref<9x128xf32, #tpu.memory_space<vmem_shared>>
    tpu.enqueue_indirect_dma source(%dma_start3A_1092 : memref<9x128xf32, #tpu.memory_space<vmem_shared>>) target(%dma_start3A_1086 : memref<64x128xf32, #tpu.memory_space<vmem>>) offsets(%dma_start3A_1089 : memref<64xi32, #tpu.memory_space<vmem>>) semaphore(%arg18 : memref<!tpu.dma_semaphore, #tpu.memory_space<semaphore_mem>>)
    %dma_wait3A_1093 = arith.constant 0 : i32
    %dma_wait3A_1094 = arith.constant 0 : i32
    %dma_wait3A_1095 = arith.constant 0 : i32
    %dma_wait3A_1096 = tpu.memref_slice %arg9[%dma_wait3A_1094, %dma_wait3A_1095] : memref<512x128xf32, #tpu.memory_space<vmem>> -> memref<64x128xf32, #tpu.memory_space<vmem>>
    %dma_wait3A_1097 = arith.constant 0 : i32
    %dma_wait3A_1098 = tpu.memref_slice %arg8[%dma_wait3A_1093, %dma_wait3A_1097] : memref<8x64xi32, #tpu.memory_space<vmem>> -> memref<1x64xi32, #tpu.memory_space<vmem>>
    %dma_wait3A_1099 = tpu.memref_squeeze %dma_wait3A_1098 : memref<1x64xi32, #tpu.memory_space<vmem>> -> memref<64xi32, #tpu.memory_space<vmem>>
    %dma_wait3A_1100 = arith.constant 0 : i32
    %dma_wait3A_1101 = arith.constant 0 : i32
    %dma_wait3A_1102 = tpu.memref_slice %arg6[%dma_wait3A_1100, %dma_wait3A_1101] : memref<9x128xf32, #tpu.memory_space<vmem_shared>> -> memref<9x128xf32, #tpu.memory_space<vmem_shared>>
    tpu.wait_indirect_dma semaphore(%arg11 : memref<!tpu.dma_semaphore, #tpu.memory_space<semaphore_mem>>) src(%dma_wait3A_1102 : memref<9x128xf32, #tpu.memory_space<vmem_shared>>) dst(%dma_wait3A_1096 : memref<64x128xf32, #tpu.memory_space<vmem>>)
    %add3A_1103 = arith.constant 0 : i32
    %add3A_1104 = arith.addi %mul3A_2, %add3A_1103 : i32
    %dma_start3A_1105 = arith.constant 0 : i32
    %dma_start3A_1106 = arith.constant 0 : i32
    %dma_start3A_1107 = tpu.memref_slice %arg9[%dma_start3A_1105, %dma_start3A_1106] : memref<512x128xf32, #tpu.memory_space<vmem>> -> memref<64x128xf32, #tpu.memory_space<vmem>>
    %dma_start3A_1108 = arith.constant 0 : i32
    %dma_start3A_1109 = tpu.memref_slice %arg4[%add3A_1104, %dma_start3A_1108] : memref<16384x128xf32, #tpu.memory_space<hbm>> -> memref<64x128xf32, #tpu.memory_space<hbm>>
    %dma_start3A_1110 = arith.constant 0 : i32
    %dma_start3A_1111 = tpu.memref_slice %arg4[%add3A_1104, %dma_start3A_1110] : memref<16384x128xf32, #tpu.memory_space<hbm>> -> memref<64x128xf32, #tpu.memory_space<hbm>>
    %dma_start3A_1112 = arith.constant 0 : i32
    %dma_start3A_1113 = arith.constant 0 : i32
    %dma_start3A_1114 = tpu.memref_slice %arg9[%dma_start3A_1112, %dma_start3A_1113] : memref<512x128xf32, #tpu.memory_space<vmem>> -> memref<64x128xf32, #tpu.memory_space<vmem>>
    tpu.enqueue_dma source(%dma_start3A_1114 : memref<64x128xf32, #tpu.memory_space<vmem>>) target(%dma_start3A_1111 : memref<64x128xf32, #tpu.memory_space<hbm>>) target_semaphore(%arg19 : memref<!tpu.dma_semaphore, #tpu.memory_space<semaphore_mem>>)
    %dma_wait3A_1115 = arith.constant 1 : i32
    %dma_wait3A_1116 = arith.constant 64 : i32
    %dma_wait3A_1117 = arith.constant 0 : i32
    %dma_wait3A_1118 = tpu.memref_slice %arg9[%dma_wait3A_1116, %dma_wait3A_1117] : memref<512x128xf32, #tpu.memory_space<vmem>> -> memref<64x128xf32, #tpu.memory_space<vmem>>
    %dma_wait3A_1119 = arith.constant 0 : i32
    %dma_wait3A_1120 = tpu.memref_slice %arg8[%dma_wait3A_1115, %dma_wait3A_1119] : memref<8x64xi32, #tpu.memory_space<vmem>> -> memref<1x64xi32, #tpu.memory_space<vmem>>
    %dma_wait3A_1121 = tpu.memref_squeeze %dma_wait3A_1120 : memref<1x64xi32, #tpu.memory_space<vmem>> -> memref<64xi32, #tpu.memory_space<vmem>>
    %dma_wait3A_1122 = arith.constant 0 : i32
    %dma_wait3A_1123 = arith.constant 0 : i32
    %dma_wait3A_1124 = tpu.memref_slice %arg6[%dma_wait3A_1122, %dma_wait3A_1123] : memref<9x128xf32, #tpu.memory_space<vmem_shared>> -> memref<9x128xf32, #tpu.memory_space<vmem_shared>>
    tpu.wait_indirect_dma semaphore(%arg12 : memref<!tpu.dma_semaphore, #tpu.memory_space<semaphore_mem>>) src(%dma_wait3A_1124 : memref<9x128xf32, #tpu.memory_space<vmem_shared>>) dst(%dma_wait3A_1118 : memref<64x128xf32, #tpu.memory_space<vmem>>)
    %add3A_1125 = arith.constant 64 : i32
    %add3A_1126 = arith.addi %mul3A_2, %add3A_1125 : i32
    %dma_start3A_1127 = arith.constant 64 : i32
    %dma_start3A_1128 = arith.constant 0 : i32
    %dma_start3A_1129 = tpu.memref_slice %arg9[%dma_start3A_1127, %dma_start3A_1128] : memref<512x128xf32, #tpu.memory_space<vmem>> -> memref<64x128xf32, #tpu.memory_space<vmem>>
    %dma_start3A_1130 = arith.constant 0 : i32
    %dma_start3A_1131 = tpu.memref_slice %arg4[%add3A_1126, %dma_start3A_1130] : memref<16384x128xf32, #tpu.memory_space<hbm>> -> memref<64x128xf32, #tpu.memory_space<hbm>>
    %dma_start3A_1132 = arith.constant 0 : i32
    %dma_start3A_1133 = tpu.memref_slice %arg4[%add3A_1126, %dma_start3A_1132] : memref<16384x128xf32, #tpu.memory_space<hbm>> -> memref<64x128xf32, #tpu.memory_space<hbm>>
    %dma_start3A_1134 = arith.constant 64 : i32
    %dma_start3A_1135 = arith.constant 0 : i32
    %dma_start3A_1136 = tpu.memref_slice %arg9[%dma_start3A_1134, %dma_start3A_1135] : memref<512x128xf32, #tpu.memory_space<vmem>> -> memref<64x128xf32, #tpu.memory_space<vmem>>
    tpu.enqueue_dma source(%dma_start3A_1136 : memref<64x128xf32, #tpu.memory_space<vmem>>) target(%dma_start3A_1133 : memref<64x128xf32, #tpu.memory_space<hbm>>) target_semaphore(%arg19 : memref<!tpu.dma_semaphore, #tpu.memory_space<semaphore_mem>>)
    %dma_wait3A_1137 = arith.constant 2 : i32
    %dma_wait3A_1138 = arith.constant 128 : i32
    %dma_wait3A_1139 = arith.constant 0 : i32
    %dma_wait3A_1140 = tpu.memref_slice %arg9[%dma_wait3A_1138, %dma_wait3A_1139] : memref<512x128xf32, #tpu.memory_space<vmem>> -> memref<64x128xf32, #tpu.memory_space<vmem>>
    %dma_wait3A_1141 = arith.constant 0 : i32
    %dma_wait3A_1142 = tpu.memref_slice %arg8[%dma_wait3A_1137, %dma_wait3A_1141] : memref<8x64xi32, #tpu.memory_space<vmem>> -> memref<1x64xi32, #tpu.memory_space<vmem>>
    %dma_wait3A_1143 = tpu.memref_squeeze %dma_wait3A_1142 : memref<1x64xi32, #tpu.memory_space<vmem>> -> memref<64xi32, #tpu.memory_space<vmem>>
    %dma_wait3A_1144 = arith.constant 0 : i32
    %dma_wait3A_1145 = arith.constant 0 : i32
    %dma_wait3A_1146 = tpu.memref_slice %arg6[%dma_wait3A_1144, %dma_wait3A_1145] : memref<9x128xf32, #tpu.memory_space<vmem_shared>> -> memref<9x128xf32, #tpu.memory_space<vmem_shared>>
    tpu.wait_indirect_dma semaphore(%arg13 : memref<!tpu.dma_semaphore, #tpu.memory_space<semaphore_mem>>) src(%dma_wait3A_1146 : memref<9x128xf32, #tpu.memory_space<vmem_shared>>) dst(%dma_wait3A_1140 : memref<64x128xf32, #tpu.memory_space<vmem>>)
    %add3A_1147 = arith.constant 128 : i32
    %add3A_1148 = arith.addi %mul3A_2, %add3A_1147 : i32
    %dma_start3A_1149 = arith.constant 128 : i32
    %dma_start3A_1150 = arith.constant 0 : i32
    %dma_start3A_1151 = tpu.memref_slice %arg9[%dma_start3A_1149, %dma_start3A_1150] : memref<512x128xf32, #tpu.memory_space<vmem>> -> memref<64x128xf32, #tpu.memory_space<vmem>>
    %dma_start3A_1152 = arith.constant 0 : i32
    %dma_start3A_1153 = tpu.memref_slice %arg4[%add3A_1148, %dma_start3A_1152] : memref<16384x128xf32, #tpu.memory_space<hbm>> -> memref<64x128xf32, #tpu.memory_space<hbm>>
    %dma_start3A_1154 = arith.constant 0 : i32
    %dma_start3A_1155 = tpu.memref_slice %arg4[%add3A_1148, %dma_start3A_1154] : memref<16384x128xf32, #tpu.memory_space<hbm>> -> memref<64x128xf32, #tpu.memory_space<hbm>>
    %dma_start3A_1156 = arith.constant 128 : i32
    %dma_start3A_1157 = arith.constant 0 : i32
    %dma_start3A_1158 = tpu.memref_slice %arg9[%dma_start3A_1156, %dma_start3A_1157] : memref<512x128xf32, #tpu.memory_space<vmem>> -> memref<64x128xf32, #tpu.memory_space<vmem>>
    tpu.enqueue_dma source(%dma_start3A_1158 : memref<64x128xf32, #tpu.memory_space<vmem>>) target(%dma_start3A_1155 : memref<64x128xf32, #tpu.memory_space<hbm>>) target_semaphore(%arg19 : memref<!tpu.dma_semaphore, #tpu.memory_space<semaphore_mem>>)
    %dma_wait3A_1159 = arith.constant 3 : i32
    %dma_wait3A_1160 = arith.constant 192 : i32
    %dma_wait3A_1161 = arith.constant 0 : i32
    %dma_wait3A_1162 = tpu.memref_slice %arg9[%dma_wait3A_1160, %dma_wait3A_1161] : memref<512x128xf32, #tpu.memory_space<vmem>> -> memref<64x128xf32, #tpu.memory_space<vmem>>
    %dma_wait3A_1163 = arith.constant 0 : i32
    %dma_wait3A_1164 = tpu.memref_slice %arg8[%dma_wait3A_1159, %dma_wait3A_1163] : memref<8x64xi32, #tpu.memory_space<vmem>> -> memref<1x64xi32, #tpu.memory_space<vmem>>
    %dma_wait3A_1165 = tpu.memref_squeeze %dma_wait3A_1164 : memref<1x64xi32, #tpu.memory_space<vmem>> -> memref<64xi32, #tpu.memory_space<vmem>>
    %dma_wait3A_1166 = arith.constant 0 : i32
    %dma_wait3A_1167 = arith.constant 0 : i32
    %dma_wait3A_1168 = tpu.memref_slice %arg6[%dma_wait3A_1166, %dma_wait3A_1167] : memref<9x128xf32, #tpu.memory_space<vmem_shared>> -> memref<9x128xf32, #tpu.memory_space<vmem_shared>>
    tpu.wait_indirect_dma semaphore(%arg14 : memref<!tpu.dma_semaphore, #tpu.memory_space<semaphore_mem>>) src(%dma_wait3A_1168 : memref<9x128xf32, #tpu.memory_space<vmem_shared>>) dst(%dma_wait3A_1162 : memref<64x128xf32, #tpu.memory_space<vmem>>)
    %add3A_1169 = arith.constant 192 : i32
    %add3A_1170 = arith.addi %mul3A_2, %add3A_1169 : i32
    %dma_start3A_1171 = arith.constant 192 : i32
    %dma_start3A_1172 = arith.constant 0 : i32
    %dma_start3A_1173 = tpu.memref_slice %arg9[%dma_start3A_1171, %dma_start3A_1172] : memref<512x128xf32, #tpu.memory_space<vmem>> -> memref<64x128xf32, #tpu.memory_space<vmem>>
    %dma_start3A_1174 = arith.constant 0 : i32
    %dma_start3A_1175 = tpu.memref_slice %arg4[%add3A_1170, %dma_start3A_1174] : memref<16384x128xf32, #tpu.memory_space<hbm>> -> memref<64x128xf32, #tpu.memory_space<hbm>>
    %dma_start3A_1176 = arith.constant 0 : i32
    %dma_start3A_1177 = tpu.memref_slice %arg4[%add3A_1170, %dma_start3A_1176] : memref<16384x128xf32, #tpu.memory_space<hbm>> -> memref<64x128xf32, #tpu.memory_space<hbm>>
    %dma_start3A_1178 = arith.constant 192 : i32
    %dma_start3A_1179 = arith.constant 0 : i32
    %dma_start3A_1180 = tpu.memref_slice %arg9[%dma_start3A_1178, %dma_start3A_1179] : memref<512x128xf32, #tpu.memory_space<vmem>> -> memref<64x128xf32, #tpu.memory_space<vmem>>
    tpu.enqueue_dma source(%dma_start3A_1180 : memref<64x128xf32, #tpu.memory_space<vmem>>) target(%dma_start3A_1177 : memref<64x128xf32, #tpu.memory_space<hbm>>) target_semaphore(%arg19 : memref<!tpu.dma_semaphore, #tpu.memory_space<semaphore_mem>>)
    %dma_wait3A_1181 = arith.constant 4 : i32
    %dma_wait3A_1182 = arith.constant 256 : i32
    %dma_wait3A_1183 = arith.constant 0 : i32
    %dma_wait3A_1184 = tpu.memref_slice %arg9[%dma_wait3A_1182, %dma_wait3A_1183] : memref<512x128xf32, #tpu.memory_space<vmem>> -> memref<64x128xf32, #tpu.memory_space<vmem>>
    %dma_wait3A_1185 = arith.constant 0 : i32
    %dma_wait3A_1186 = tpu.memref_slice %arg8[%dma_wait3A_1181, %dma_wait3A_1185] : memref<8x64xi32, #tpu.memory_space<vmem>> -> memref<1x64xi32, #tpu.memory_space<vmem>>
    %dma_wait3A_1187 = tpu.memref_squeeze %dma_wait3A_1186 : memref<1x64xi32, #tpu.memory_space<vmem>> -> memref<64xi32, #tpu.memory_space<vmem>>
    %dma_wait3A_1188 = arith.constant 0 : i32
    %dma_wait3A_1189 = arith.constant 0 : i32
    %dma_wait3A_1190 = tpu.memref_slice %arg6[%dma_wait3A_1188, %dma_wait3A_1189] : memref<9x128xf32, #tpu.memory_space<vmem_shared>> -> memref<9x128xf32, #tpu.memory_space<vmem_shared>>
    tpu.wait_indirect_dma semaphore(%arg15 : memref<!tpu.dma_semaphore, #tpu.memory_space<semaphore_mem>>) src(%dma_wait3A_1190 : memref<9x128xf32, #tpu.memory_space<vmem_shared>>) dst(%dma_wait3A_1184 : memref<64x128xf32, #tpu.memory_space<vmem>>)
    %add3A_1191 = arith.constant 256 : i32
    %add3A_1192 = arith.addi %mul3A_2, %add3A_1191 : i32
    %dma_start3A_1193 = arith.constant 256 : i32
    %dma_start3A_1194 = arith.constant 0 : i32
    %dma_start3A_1195 = tpu.memref_slice %arg9[%dma_start3A_1193, %dma_start3A_1194] : memref<512x128xf32, #tpu.memory_space<vmem>> -> memref<64x128xf32, #tpu.memory_space<vmem>>
    %dma_start3A_1196 = arith.constant 0 : i32
    %dma_start3A_1197 = tpu.memref_slice %arg4[%add3A_1192, %dma_start3A_1196] : memref<16384x128xf32, #tpu.memory_space<hbm>> -> memref<64x128xf32, #tpu.memory_space<hbm>>
    %dma_start3A_1198 = arith.constant 0 : i32
    %dma_start3A_1199 = tpu.memref_slice %arg4[%add3A_1192, %dma_start3A_1198] : memref<16384x128xf32, #tpu.memory_space<hbm>> -> memref<64x128xf32, #tpu.memory_space<hbm>>
    %dma_start3A_1200 = arith.constant 256 : i32
    %dma_start3A_1201 = arith.constant 0 : i32
    %dma_start3A_1202 = tpu.memref_slice %arg9[%dma_start3A_1200, %dma_start3A_1201] : memref<512x128xf32, #tpu.memory_space<vmem>> -> memref<64x128xf32, #tpu.memory_space<vmem>>
    tpu.enqueue_dma source(%dma_start3A_1202 : memref<64x128xf32, #tpu.memory_space<vmem>>) target(%dma_start3A_1199 : memref<64x128xf32, #tpu.memory_space<hbm>>) target_semaphore(%arg19 : memref<!tpu.dma_semaphore, #tpu.memory_space<semaphore_mem>>)
    %dma_wait3A_1203 = arith.constant 5 : i32
    %dma_wait3A_1204 = arith.constant 320 : i32
    %dma_wait3A_1205 = arith.constant 0 : i32
    %dma_wait3A_1206 = tpu.memref_slice %arg9[%dma_wait3A_1204, %dma_wait3A_1205] : memref<512x128xf32, #tpu.memory_space<vmem>> -> memref<64x128xf32, #tpu.memory_space<vmem>>
    %dma_wait3A_1207 = arith.constant 0 : i32
    %dma_wait3A_1208 = tpu.memref_slice %arg8[%dma_wait3A_1203, %dma_wait3A_1207] : memref<8x64xi32, #tpu.memory_space<vmem>> -> memref<1x64xi32, #tpu.memory_space<vmem>>
    %dma_wait3A_1209 = tpu.memref_squeeze %dma_wait3A_1208 : memref<1x64xi32, #tpu.memory_space<vmem>> -> memref<64xi32, #tpu.memory_space<vmem>>
    %dma_wait3A_1210 = arith.constant 0 : i32
    %dma_wait3A_1211 = arith.constant 0 : i32
    %dma_wait3A_1212 = tpu.memref_slice %arg6[%dma_wait3A_1210, %dma_wait3A_1211] : memref<9x128xf32, #tpu.memory_space<vmem_shared>> -> memref<9x128xf32, #tpu.memory_space<vmem_shared>>
    tpu.wait_indirect_dma semaphore(%arg16 : memref<!tpu.dma_semaphore, #tpu.memory_space<semaphore_mem>>) src(%dma_wait3A_1212 : memref<9x128xf32, #tpu.memory_space<vmem_shared>>) dst(%dma_wait3A_1206 : memref<64x128xf32, #tpu.memory_space<vmem>>)
    %add3A_1213 = arith.constant 320 : i32
    %add3A_1214 = arith.addi %mul3A_2, %add3A_1213 : i32
    %dma_start3A_1215 = arith.constant 320 : i32
    %dma_start3A_1216 = arith.constant 0 : i32
    %dma_start3A_1217 = tpu.memref_slice %arg9[%dma_start3A_1215, %dma_start3A_1216] : memref<512x128xf32, #tpu.memory_space<vmem>> -> memref<64x128xf32, #tpu.memory_space<vmem>>
    %dma_start3A_1218 = arith.constant 0 : i32
    %dma_start3A_1219 = tpu.memref_slice %arg4[%add3A_1214, %dma_start3A_1218] : memref<16384x128xf32, #tpu.memory_space<hbm>> -> memref<64x128xf32, #tpu.memory_space<hbm>>
    %dma_start3A_1220 = arith.constant 0 : i32
    %dma_start3A_1221 = tpu.memref_slice %arg4[%add3A_1214, %dma_start3A_1220] : memref<16384x128xf32, #tpu.memory_space<hbm>> -> memref<64x128xf32, #tpu.memory_space<hbm>>
    %dma_start3A_1222 = arith.constant 320 : i32
    %dma_start3A_1223 = arith.constant 0 : i32
    %dma_start3A_1224 = tpu.memref_slice %arg9[%dma_start3A_1222, %dma_start3A_1223] : memref<512x128xf32, #tpu.memory_space<vmem>> -> memref<64x128xf32, #tpu.memory_space<vmem>>
    tpu.enqueue_dma source(%dma_start3A_1224 : memref<64x128xf32, #tpu.memory_space<vmem>>) target(%dma_start3A_1221 : memref<64x128xf32, #tpu.memory_space<hbm>>) target_semaphore(%arg19 : memref<!tpu.dma_semaphore, #tpu.memory_space<semaphore_mem>>)
    %dma_wait3A_1225 = arith.constant 6 : i32
    %dma_wait3A_1226 = arith.constant 384 : i32
    %dma_wait3A_1227 = arith.constant 0 : i32
    %dma_wait3A_1228 = tpu.memref_slice %arg9[%dma_wait3A_1226, %dma_wait3A_1227] : memref<512x128xf32, #tpu.memory_space<vmem>> -> memref<64x128xf32, #tpu.memory_space<vmem>>
    %dma_wait3A_1229 = arith.constant 0 : i32
    %dma_wait3A_1230 = tpu.memref_slice %arg8[%dma_wait3A_1225, %dma_wait3A_1229] : memref<8x64xi32, #tpu.memory_space<vmem>> -> memref<1x64xi32, #tpu.memory_space<vmem>>
    %dma_wait3A_1231 = tpu.memref_squeeze %dma_wait3A_1230 : memref<1x64xi32, #tpu.memory_space<vmem>> -> memref<64xi32, #tpu.memory_space<vmem>>
    %dma_wait3A_1232 = arith.constant 0 : i32
    %dma_wait3A_1233 = arith.constant 0 : i32
    %dma_wait3A_1234 = tpu.memref_slice %arg6[%dma_wait3A_1232, %dma_wait3A_1233] : memref<9x128xf32, #tpu.memory_space<vmem_shared>> -> memref<9x128xf32, #tpu.memory_space<vmem_shared>>
    tpu.wait_indirect_dma semaphore(%arg17 : memref<!tpu.dma_semaphore, #tpu.memory_space<semaphore_mem>>) src(%dma_wait3A_1234 : memref<9x128xf32, #tpu.memory_space<vmem_shared>>) dst(%dma_wait3A_1228 : memref<64x128xf32, #tpu.memory_space<vmem>>)
    %add3A_1235 = arith.constant 384 : i32
    %add3A_1236 = arith.addi %mul3A_2, %add3A_1235 : i32
    %dma_start3A_1237 = arith.constant 384 : i32
    %dma_start3A_1238 = arith.constant 0 : i32
    %dma_start3A_1239 = tpu.memref_slice %arg9[%dma_start3A_1237, %dma_start3A_1238] : memref<512x128xf32, #tpu.memory_space<vmem>> -> memref<64x128xf32, #tpu.memory_space<vmem>>
    %dma_start3A_1240 = arith.constant 0 : i32
    %dma_start3A_1241 = tpu.memref_slice %arg4[%add3A_1236, %dma_start3A_1240] : memref<16384x128xf32, #tpu.memory_space<hbm>> -> memref<64x128xf32, #tpu.memory_space<hbm>>
    %dma_start3A_1242 = arith.constant 0 : i32
    %dma_start3A_1243 = tpu.memref_slice %arg4[%add3A_1236, %dma_start3A_1242] : memref<16384x128xf32, #tpu.memory_space<hbm>> -> memref<64x128xf32, #tpu.memory_space<hbm>>
    %dma_start3A_1244 = arith.constant 384 : i32
    %dma_start3A_1245 = arith.constant 0 : i32
    %dma_start3A_1246 = tpu.memref_slice %arg9[%dma_start3A_1244, %dma_start3A_1245] : memref<512x128xf32, #tpu.memory_space<vmem>> -> memref<64x128xf32, #tpu.memory_space<vmem>>
    tpu.enqueue_dma source(%dma_start3A_1246 : memref<64x128xf32, #tpu.memory_space<vmem>>) target(%dma_start3A_1243 : memref<64x128xf32, #tpu.memory_space<hbm>>) target_semaphore(%arg19 : memref<!tpu.dma_semaphore, #tpu.memory_space<semaphore_mem>>)
    %dma_wait3A_1247 = arith.constant 7 : i32
    %dma_wait3A_1248 = arith.constant 448 : i32
    %dma_wait3A_1249 = arith.constant 0 : i32
    %dma_wait3A_1250 = tpu.memref_slice %arg9[%dma_wait3A_1248, %dma_wait3A_1249] : memref<512x128xf32, #tpu.memory_space<vmem>> -> memref<64x128xf32, #tpu.memory_space<vmem>>
    %dma_wait3A_1251 = arith.constant 0 : i32
    %dma_wait3A_1252 = tpu.memref_slice %arg8[%dma_wait3A_1247, %dma_wait3A_1251] : memref<8x64xi32, #tpu.memory_space<vmem>> -> memref<1x64xi32, #tpu.memory_space<vmem>>
    %dma_wait3A_1253 = tpu.memref_squeeze %dma_wait3A_1252 : memref<1x64xi32, #tpu.memory_space<vmem>> -> memref<64xi32, #tpu.memory_space<vmem>>
    %dma_wait3A_1254 = arith.constant 0 : i32
    %dma_wait3A_1255 = arith.constant 0 : i32
    %dma_wait3A_1256 = tpu.memref_slice %arg6[%dma_wait3A_1254, %dma_wait3A_1255] : memref<9x128xf32, #tpu.memory_space<vmem_shared>> -> memref<9x128xf32, #tpu.memory_space<vmem_shared>>
    tpu.wait_indirect_dma semaphore(%arg18 : memref<!tpu.dma_semaphore, #tpu.memory_space<semaphore_mem>>) src(%dma_wait3A_1256 : memref<9x128xf32, #tpu.memory_space<vmem_shared>>) dst(%dma_wait3A_1250 : memref<64x128xf32, #tpu.memory_space<vmem>>)
    %add3A_1257 = arith.constant 448 : i32
    %add3A_1258 = arith.addi %mul3A_2, %add3A_1257 : i32
    %dma_start3A_1259 = arith.constant 448 : i32
    %dma_start3A_1260 = arith.constant 0 : i32
    %dma_start3A_1261 = tpu.memref_slice %arg9[%dma_start3A_1259, %dma_start3A_1260] : memref<512x128xf32, #tpu.memory_space<vmem>> -> memref<64x128xf32, #tpu.memory_space<vmem>>
    %dma_start3A_1262 = arith.constant 0 : i32
    %dma_start3A_1263 = tpu.memref_slice %arg4[%add3A_1258, %dma_start3A_1262] : memref<16384x128xf32, #tpu.memory_space<hbm>> -> memref<64x128xf32, #tpu.memory_space<hbm>>
    %dma_start3A_1264 = arith.constant 0 : i32
    %dma_start3A_1265 = tpu.memref_slice %arg4[%add3A_1258, %dma_start3A_1264] : memref<16384x128xf32, #tpu.memory_space<hbm>> -> memref<64x128xf32, #tpu.memory_space<hbm>>
    %dma_start3A_1266 = arith.constant 448 : i32
    %dma_start3A_1267 = arith.constant 0 : i32
    %dma_start3A_1268 = tpu.memref_slice %arg9[%dma_start3A_1266, %dma_start3A_1267] : memref<512x128xf32, #tpu.memory_space<vmem>> -> memref<64x128xf32, #tpu.memory_space<vmem>>
    tpu.enqueue_dma source(%dma_start3A_1268 : memref<64x128xf32, #tpu.memory_space<vmem>>) target(%dma_start3A_1265 : memref<64x128xf32, #tpu.memory_space<hbm>>) target_semaphore(%arg19 : memref<!tpu.dma_semaphore, #tpu.memory_space<semaphore_mem>>)
    %dma_wait3A_1269 = arith.constant 0 : i32
    %dma_wait3A_1270 = arith.constant 0 : i32
    %dma_wait3A_1271 = tpu.memref_slice %arg9[%dma_wait3A_1269, %dma_wait3A_1270] : memref<512x128xf32, #tpu.memory_space<vmem>> -> memref<64x128xf32, #tpu.memory_space<vmem>>
    %dma_wait3A_1272 = arith.constant 0 : i32
    %dma_wait3A_1273 = tpu.memref_slice %arg4[%add3A_1104, %dma_wait3A_1272] : memref<16384x128xf32, #tpu.memory_space<hbm>> -> memref<64x128xf32, #tpu.memory_space<hbm>>
    %dma_wait3A_1274 = arith.constant 0 : i32
    %dma_wait3A_1275 = tpu.memref_slice %arg4[%add3A_1104, %dma_wait3A_1274] : memref<16384x128xf32, #tpu.memory_space<hbm>> -> memref<64x128xf32, #tpu.memory_space<hbm>>
    %dma_wait3A_1276 = arith.constant 0 : i32
    %dma_wait3A_1277 = arith.constant 0 : i32
    %dma_wait3A_1278 = tpu.memref_slice %arg9[%dma_wait3A_1276, %dma_wait3A_1277] : memref<512x128xf32, #tpu.memory_space<vmem>> -> memref<64x128xf32, #tpu.memory_space<vmem>>
    tpu.wait_dma2 semaphore(%arg19 : memref<!tpu.dma_semaphore, #tpu.memory_space<semaphore_mem>>) src(%dma_wait3A_1278 : memref<64x128xf32, #tpu.memory_space<vmem>>) dst(%dma_wait3A_1275 : memref<64x128xf32, #tpu.memory_space<hbm>>)
    %dma_wait3A_1279 = arith.constant 64 : i32
    %dma_wait3A_1280 = arith.constant 0 : i32
    %dma_wait3A_1281 = tpu.memref_slice %arg9[%dma_wait3A_1279, %dma_wait3A_1280] : memref<512x128xf32, #tpu.memory_space<vmem>> -> memref<64x128xf32, #tpu.memory_space<vmem>>
    %dma_wait3A_1282 = arith.constant 0 : i32
    %dma_wait3A_1283 = tpu.memref_slice %arg4[%add3A_1126, %dma_wait3A_1282] : memref<16384x128xf32, #tpu.memory_space<hbm>> -> memref<64x128xf32, #tpu.memory_space<hbm>>
    %dma_wait3A_1284 = arith.constant 0 : i32
    %dma_wait3A_1285 = tpu.memref_slice %arg4[%add3A_1126, %dma_wait3A_1284] : memref<16384x128xf32, #tpu.memory_space<hbm>> -> memref<64x128xf32, #tpu.memory_space<hbm>>
    %dma_wait3A_1286 = arith.constant 64 : i32
    %dma_wait3A_1287 = arith.constant 0 : i32
    %dma_wait3A_1288 = tpu.memref_slice %arg9[%dma_wait3A_1286, %dma_wait3A_1287] : memref<512x128xf32, #tpu.memory_space<vmem>> -> memref<64x128xf32, #tpu.memory_space<vmem>>
    tpu.wait_dma2 semaphore(%arg19 : memref<!tpu.dma_semaphore, #tpu.memory_space<semaphore_mem>>) src(%dma_wait3A_1288 : memref<64x128xf32, #tpu.memory_space<vmem>>) dst(%dma_wait3A_1285 : memref<64x128xf32, #tpu.memory_space<hbm>>)
    %dma_wait3A_1289 = arith.constant 128 : i32
    %dma_wait3A_1290 = arith.constant 0 : i32
    %dma_wait3A_1291 = tpu.memref_slice %arg9[%dma_wait3A_1289, %dma_wait3A_1290] : memref<512x128xf32, #tpu.memory_space<vmem>> -> memref<64x128xf32, #tpu.memory_space<vmem>>
    %dma_wait3A_1292 = arith.constant 0 : i32
    %dma_wait3A_1293 = tpu.memref_slice %arg4[%add3A_1148, %dma_wait3A_1292] : memref<16384x128xf32, #tpu.memory_space<hbm>> -> memref<64x128xf32, #tpu.memory_space<hbm>>
    %dma_wait3A_1294 = arith.constant 0 : i32
    %dma_wait3A_1295 = tpu.memref_slice %arg4[%add3A_1148, %dma_wait3A_1294] : memref<16384x128xf32, #tpu.memory_space<hbm>> -> memref<64x128xf32, #tpu.memory_space<hbm>>
    %dma_wait3A_1296 = arith.constant 128 : i32
    %dma_wait3A_1297 = arith.constant 0 : i32
    %dma_wait3A_1298 = tpu.memref_slice %arg9[%dma_wait3A_1296, %dma_wait3A_1297] : memref<512x128xf32, #tpu.memory_space<vmem>> -> memref<64x128xf32, #tpu.memory_space<vmem>>
    tpu.wait_dma2 semaphore(%arg19 : memref<!tpu.dma_semaphore, #tpu.memory_space<semaphore_mem>>) src(%dma_wait3A_1298 : memref<64x128xf32, #tpu.memory_space<vmem>>) dst(%dma_wait3A_1295 : memref<64x128xf32, #tpu.memory_space<hbm>>)
    %dma_wait3A_1299 = arith.constant 192 : i32
    %dma_wait3A_1300 = arith.constant 0 : i32
    %dma_wait3A_1301 = tpu.memref_slice %arg9[%dma_wait3A_1299, %dma_wait3A_1300] : memref<512x128xf32, #tpu.memory_space<vmem>> -> memref<64x128xf32, #tpu.memory_space<vmem>>
    %dma_wait3A_1302 = arith.constant 0 : i32
    %dma_wait3A_1303 = tpu.memref_slice %arg4[%add3A_1170, %dma_wait3A_1302] : memref<16384x128xf32, #tpu.memory_space<hbm>> -> memref<64x128xf32, #tpu.memory_space<hbm>>
    %dma_wait3A_1304 = arith.constant 0 : i32
    %dma_wait3A_1305 = tpu.memref_slice %arg4[%add3A_1170, %dma_wait3A_1304] : memref<16384x128xf32, #tpu.memory_space<hbm>> -> memref<64x128xf32, #tpu.memory_space<hbm>>
    %dma_wait3A_1306 = arith.constant 192 : i32
    %dma_wait3A_1307 = arith.constant 0 : i32
    %dma_wait3A_1308 = tpu.memref_slice %arg9[%dma_wait3A_1306, %dma_wait3A_1307] : memref<512x128xf32, #tpu.memory_space<vmem>> -> memref<64x128xf32, #tpu.memory_space<vmem>>
    tpu.wait_dma2 semaphore(%arg19 : memref<!tpu.dma_semaphore, #tpu.memory_space<semaphore_mem>>) src(%dma_wait3A_1308 : memref<64x128xf32, #tpu.memory_space<vmem>>) dst(%dma_wait3A_1305 : memref<64x128xf32, #tpu.memory_space<hbm>>)
    %dma_wait3A_1309 = arith.constant 256 : i32
    %dma_wait3A_1310 = arith.constant 0 : i32
    %dma_wait3A_1311 = tpu.memref_slice %arg9[%dma_wait3A_1309, %dma_wait3A_1310] : memref<512x128xf32, #tpu.memory_space<vmem>> -> memref<64x128xf32, #tpu.memory_space<vmem>>
    %dma_wait3A_1312 = arith.constant 0 : i32
    %dma_wait3A_1313 = tpu.memref_slice %arg4[%add3A_1192, %dma_wait3A_1312] : memref<16384x128xf32, #tpu.memory_space<hbm>> -> memref<64x128xf32, #tpu.memory_space<hbm>>
    %dma_wait3A_1314 = arith.constant 0 : i32
    %dma_wait3A_1315 = tpu.memref_slice %arg4[%add3A_1192, %dma_wait3A_1314] : memref<16384x128xf32, #tpu.memory_space<hbm>> -> memref<64x128xf32, #tpu.memory_space<hbm>>
    %dma_wait3A_1316 = arith.constant 256 : i32
    %dma_wait3A_1317 = arith.constant 0 : i32
    %dma_wait3A_1318 = tpu.memref_slice %arg9[%dma_wait3A_1316, %dma_wait3A_1317] : memref<512x128xf32, #tpu.memory_space<vmem>> -> memref<64x128xf32, #tpu.memory_space<vmem>>
    tpu.wait_dma2 semaphore(%arg19 : memref<!tpu.dma_semaphore, #tpu.memory_space<semaphore_mem>>) src(%dma_wait3A_1318 : memref<64x128xf32, #tpu.memory_space<vmem>>) dst(%dma_wait3A_1315 : memref<64x128xf32, #tpu.memory_space<hbm>>)
    %dma_wait3A_1319 = arith.constant 320 : i32
    %dma_wait3A_1320 = arith.constant 0 : i32
    %dma_wait3A_1321 = tpu.memref_slice %arg9[%dma_wait3A_1319, %dma_wait3A_1320] : memref<512x128xf32, #tpu.memory_space<vmem>> -> memref<64x128xf32, #tpu.memory_space<vmem>>
    %dma_wait3A_1322 = arith.constant 0 : i32
    %dma_wait3A_1323 = tpu.memref_slice %arg4[%add3A_1214, %dma_wait3A_1322] : memref<16384x128xf32, #tpu.memory_space<hbm>> -> memref<64x128xf32, #tpu.memory_space<hbm>>
    %dma_wait3A_1324 = arith.constant 0 : i32
    %dma_wait3A_1325 = tpu.memref_slice %arg4[%add3A_1214, %dma_wait3A_1324] : memref<16384x128xf32, #tpu.memory_space<hbm>> -> memref<64x128xf32, #tpu.memory_space<hbm>>
    %dma_wait3A_1326 = arith.constant 320 : i32
    %dma_wait3A_1327 = arith.constant 0 : i32
    %dma_wait3A_1328 = tpu.memref_slice %arg9[%dma_wait3A_1326, %dma_wait3A_1327] : memref<512x128xf32, #tpu.memory_space<vmem>> -> memref<64x128xf32, #tpu.memory_space<vmem>>
    tpu.wait_dma2 semaphore(%arg19 : memref<!tpu.dma_semaphore, #tpu.memory_space<semaphore_mem>>) src(%dma_wait3A_1328 : memref<64x128xf32, #tpu.memory_space<vmem>>) dst(%dma_wait3A_1325 : memref<64x128xf32, #tpu.memory_space<hbm>>)
    %dma_wait3A_1329 = arith.constant 384 : i32
    %dma_wait3A_1330 = arith.constant 0 : i32
    %dma_wait3A_1331 = tpu.memref_slice %arg9[%dma_wait3A_1329, %dma_wait3A_1330] : memref<512x128xf32, #tpu.memory_space<vmem>> -> memref<64x128xf32, #tpu.memory_space<vmem>>
    %dma_wait3A_1332 = arith.constant 0 : i32
    %dma_wait3A_1333 = tpu.memref_slice %arg4[%add3A_1236, %dma_wait3A_1332] : memref<16384x128xf32, #tpu.memory_space<hbm>> -> memref<64x128xf32, #tpu.memory_space<hbm>>
    %dma_wait3A_1334 = arith.constant 0 : i32
    %dma_wait3A_1335 = tpu.memref_slice %arg4[%add3A_1236, %dma_wait3A_1334] : memref<16384x128xf32, #tpu.memory_space<hbm>> -> memref<64x128xf32, #tpu.memory_space<hbm>>
    %dma_wait3A_1336 = arith.constant 384 : i32
    %dma_wait3A_1337 = arith.constant 0 : i32
    %dma_wait3A_1338 = tpu.memref_slice %arg9[%dma_wait3A_1336, %dma_wait3A_1337] : memref<512x128xf32, #tpu.memory_space<vmem>> -> memref<64x128xf32, #tpu.memory_space<vmem>>
    tpu.wait_dma2 semaphore(%arg19 : memref<!tpu.dma_semaphore, #tpu.memory_space<semaphore_mem>>) src(%dma_wait3A_1338 : memref<64x128xf32, #tpu.memory_space<vmem>>) dst(%dma_wait3A_1335 : memref<64x128xf32, #tpu.memory_space<hbm>>)
    %dma_wait3A_1339 = arith.constant 448 : i32
    %dma_wait3A_1340 = arith.constant 0 : i32
    %dma_wait3A_1341 = tpu.memref_slice %arg9[%dma_wait3A_1339, %dma_wait3A_1340] : memref<512x128xf32, #tpu.memory_space<vmem>> -> memref<64x128xf32, #tpu.memory_space<vmem>>
    %dma_wait3A_1342 = arith.constant 0 : i32
    %dma_wait3A_1343 = tpu.memref_slice %arg4[%add3A_1258, %dma_wait3A_1342] : memref<16384x128xf32, #tpu.memory_space<hbm>> -> memref<64x128xf32, #tpu.memory_space<hbm>>
    %dma_wait3A_1344 = arith.constant 0 : i32
    %dma_wait3A_1345 = tpu.memref_slice %arg4[%add3A_1258, %dma_wait3A_1344] : memref<16384x128xf32, #tpu.memory_space<hbm>> -> memref<64x128xf32, #tpu.memory_space<hbm>>
    %dma_wait3A_1346 = arith.constant 448 : i32
    %dma_wait3A_1347 = arith.constant 0 : i32
    %dma_wait3A_1348 = tpu.memref_slice %arg9[%dma_wait3A_1346, %dma_wait3A_1347] : memref<512x128xf32, #tpu.memory_space<vmem>> -> memref<64x128xf32, #tpu.memory_space<vmem>>
    tpu.wait_dma2 semaphore(%arg19 : memref<!tpu.dma_semaphore, #tpu.memory_space<semaphore_mem>>) src(%dma_wait3A_1348 : memref<64x128xf32, #tpu.memory_space<vmem>>) dst(%dma_wait3A_1345 : memref<64x128xf32, #tpu.memory_space<hbm>>)
    return
  }
}

</mosaic_0001>

<sc_bundles>
// kernel: kernel.3.cloned.1.call-start
scs
__scs_entry_jumppad:
0x0: {  	(pc) =	sbr.rel $0x88, $3  }
0x1: {  	(tag) =	ssettag $0x0;
	lr =	simm.s32 $0x1  }
0x2: {  	[smem:$0x3F9F] =	sst lr;
	_ =	strace $0xD0000000  }
0x3: {  	_ = 	snop  }
0x4: {  	_ = 	snop  }
0x5: {  	_ = 	snop  }
0x6: {  	_ = 	snop  }
0x7: {  	_ = 	snop  }
__scs_overlays_trampoline_lowered:
0x8: {  	[smem:$0x3FAE] =	sst s0  }
0x9: {  	[smem:$0x3FAF] =	sst s1  }
0xa: {  	[smem:$0x3FB0] =	sst s2  }
0xb: {  	[smem:$0x3FB1] =	sst s3  }
0xc: {  	[smem:$0x3FB2] =	sst s4  }
0xd: {  	[smem:$0x3FB3] =	sst s5  }
0xe: {  	[smem:$0x3FB4] =	sst s6  }
0xf: {  	[smem:$0x3FB5] =	sst s7  }
0x10: {  	[smem:$0x3FB6] =	sst s8  }
0x11: {  	[smem:$0x3FB7] =	sst s9;
	s0 =	simm.s32 @!p0 $0x0  }
0x12: {  	s1 =	sld [smem:$0x3F9D];
	s0 =	simm.s32 @p0 $0x1  }
0x13: {  	[smem:$0x3FB8] =	sst s0;
	s0 =	simm.s32 @!p1 $0x0  }
0x14: {  	s2 =	sld [smem:$0x3F9C];
	s0 =	simm.s32 @p1 $0x1  }
0x15: {  	[smem:$0x3FB9] =	sst s0;
	s0 =	simm.s32 @!p2 $0x0  }
0x16: {  	s3 =	sld [smem:$0x3FDB];
	s0 =	simm.s32 @p2 $0x1  }
0x17: {  	s4 =	simm.s32 $0x1BF5;
	[smem:$0x3FBB] =	sst s0  }
0x18: {  	s0 =	sld [smem:$0x3F9E];
	_ =	swait.ge [sflag:s4], $0x0  }
0x19: {  	s7 =	sld [smem:$0x3F9F]  }
0x1a: {  	s8 =	sadd.s32 $0xFFFFE003, lr  }
0x1b: {  	s9 =	sadd.s32 $0xFFFFFEF7, lr;
	s5 =	simm.s32 $0xFFFFFFFF;
	p2 =	slt.u32 s8, $0xFFFFF086  }
0x1c: {  	p1 =	slt.u32 s9, $0xF7A;
	s5 =	simm.s32 @!p2 $0x0  }
0x1d: {  	s5 =	simm.s32 @p1 $0x1;
	p0 =	seq.s32 s7, s2  }
0x1e: {  	s7 =	smul.u32 @!p0 $0xF7A, s2;
	p2 =	seq.s32 @!p0 s5, $0x0  }
0x1f: {  	s9 =	smul.u32 $0xF7A, s1;
	s8 =	simm.s32 @!p0 $0x1BF5;
	p2 =	por !p2, p0  }
0x20: {  	[sflag:s8] =	ssyncset.s32 @!p0 $0xFFFFF086;
	s6 =	sadd.s32 @!p0 s3, s7;
	s7 =	simm.s32 @!p0 $0x108  }
0x21: {  	s3 =	sadd.s32 s3, s9;
	s6 =	sadd.s32 @!p0 $0x88, s6;
	s7 =	simm.s32 @p2 $0x1082  }
0x22: {  	[simem:s7], [sflag:s8] =	dma.local @!p0 [hbm:s6], $0xF7A  }
0x23: {  	s9 =	sor.u32 $0xD0000000, s2;
	s6 =	simm.s32 $0x108;
	_ =	swait.ge @!p0 [sflag:s8], $0x0  }
0x24: {  	s3 =	sadd.s32 $0x88, s3;
	s6 =	simm.s32 @!p1 $0x1082;
	[sflag:s4] =	ssyncset.s32 $0xFFFFF086  }
0x25: {  	[simem:s6], [sflag:s4] =	dma.local [hbm:s3], $0xF7A  }
0x26: {  	[smem:$0x3F9F] =	sst s1;
	(tag) =	ssettag s2;
	_ =	strace s9  }
0x27: {  	s1 =	sld [smem:$0x3FAF]  }
0x28: {  	s2 =	sld [smem:$0x3FB0]  }
0x29: {  	s4 =	sld [smem:$0x3FB2]  }
0x2a: {  	p0 =	seq.s32 s5, $0x0;
	s5 =	sld [smem:$0x3FB3]  }
0x2b: {  	s6 =	sld [smem:$0x3FB4]  }
0x2c: {  	s7 =	sld [smem:$0x3FB5]  }
0x2d: {  	s3 =	simm.s32 $0x108;
	s8 =	sld [smem:$0x3FB6]  }
0x2e: {  	s3 =	simm.s32 @!p0 $0x1082;
	s9 =	sld [smem:$0x3FB7]  }
0x2f: {  	lr =	sadd.s32 s0, s3;
	s0 =	sld [smem:$0x3FAE]  }
0x30: {  	s3 =	sld [smem:$0x3FB1]  }
0x31: {  	[smem:$0x3FBA] =	sst s10  }
0x32: {  	s10 =	sld [smem:$0x3FB8];
	_ =	sdelay $0x3  }
0x33: {  	p0 =	seq.s32 s10, $0x1;
	s10 =	sld [smem:$0x3FBA];
	_ =	sdelay $0x3  }
0x34: {  	[smem:$0x3FBA] =	sst s10  }
0x35: {  	s10 =	sld [smem:$0x3FB9];
	_ =	sdelay $0x3  }
0x36: {  	p1 =	seq.s32 s10, $0x1;
	s10 =	sld [smem:$0x3FBA];
	_ =	sdelay $0x3  }
0x37: {  	[smem:$0x3FBA] =	sst s10  }
0x38: {  	s10 =	sld [smem:$0x3FBB]  }
0x39: {  	_ = 	snop;
	(pc) =	sbr.ind lr, $3  }
0x3a: {  	_ = 	snop  }
0x3b: {  	_ = 	snop  }
0x3c: {  	p2 =	seq.s32 s10, $0x1;
	s10 =	sld [smem:$0x3FBA]  }
0x3d: {  	_ =	shalt  }
0x3e: {  	_ =	shalt  }
0x3f: {  	_ =	shalt  }
0x40: {  	_ =	shalt  }
0x41: {  	_ =	shalt  }
0x42: {  	_ =	shalt  }
0x43: {  	_ =	shalt  }
0x44: {  	_ =	shalt  }
0x45: {  	_ =	shalt  }
0x46: {  	_ =	shalt  }
0x47: {  	_ =	shalt  }
0x48: {  	_ =	shalt  }
0x49: {  	_ =	shalt  }
0x4a: {  	_ =	shalt  }
0x4b: {  	_ =	shalt  }
0x4c: {  	_ =	shalt  }
0x4d: {  	_ =	shalt  }
0x4e: {  	_ =	shalt  }
0x4f: {  	_ =	shalt  }
0x50: {  	_ =	shalt  }
0x51: {  	_ =	shalt  }
0x52: {  	_ =	shalt  }
0x53: {  	_ =	shalt  }
0x54: {  	_ =	shalt  }
0x55: {  	_ =	shalt  }
0x56: {  	_ =	shalt  }
0x57: {  	_ =	shalt  }
0x58: {  	_ =	shalt  }
0x59: {  	_ =	shalt  }
0x5a: {  	_ =	shalt  }
0x5b: {  	_ =	shalt  }
0x5c: {  	_ =	shalt  }
0x5d: {  	_ =	shalt  }
0x5e: {  	_ =	shalt  }
0x5f: {  	_ =	shalt  }
0x60: {  	_ =	shalt  }
0x61: {  	_ =	shalt  }
0x62: {  	_ =	shalt  }
0x63: {  	_ =	shalt  }
0x64: {  	_ =	shalt  }
0x65: {  	_ =	shalt  }
0x66: {  	_ =	shalt  }
0x67: {  	_ =	shalt  }
0x68: {  	_ =	shalt  }
0x69: {  	_ =	shalt  }
0x6a: {  	_ =	shalt  }
0x6b: {  	_ =	shalt  }
0x6c: {  	_ =	shalt  }
0x6d: {  	_ =	shalt  }
0x6e: {  	_ =	shalt  }
0x6f: {  	_ =	shalt  }
0x70: {  	_ =	shalt  }
0x71: {  	_ =	shalt  }
0x72: {  	_ =	shalt  }
0x73: {  	_ =	shalt  }
0x74: {  	_ =	shalt  }
0x75: {  	_ =	shalt  }
0x76: {  	_ =	shalt  }
0x77: {  	_ =	shalt  }
0x78: {  	_ =	shalt  }
0x79: {  	_ =	shalt  }
0x7a: {  	_ =	shalt  }
0x7b: {  	_ =	shalt  }
0x7c: {  	_ =	shalt  }
0x7d: {  	_ =	shalt  }
0x7e: {  	_ =	shalt  }
0x7f: {  	_ =	shalt  }
0x80: {  	_ =	shalt  }
0x81: {  	_ =	shalt  }
0x82: {  	_ =	shalt  }
0x83: {  	_ =	shalt  }
0x84: {  	_ =	shalt  }
0x85: {  	_ =	shalt  }
0x86: {  	_ =	shalt  }
0x87: {  	_ =	shalt  }
.Lfunc_end0:
.L_simem_size_0:
called_computation_lowered:
.L_overlay_start_0:
0x88: {  	s2 =	sld [smem:$0x3FD9]  }
0x89: {  	s3 =	sld [smem:$0x3FFE];
	_ =	sdelay $0x1  }
0x8a: {  	s1 =	srdreg.scid  }
0x8b: {  	s0 =	sand.u32 $0x1, s1  }
0x8c: {  	s18 =	sshll.u32 s0, $0xA;
	s2 =	sadd.s32 s3, s2  }
0x8d: {  	s2 =	sadd.s32 s2, s18  }
0x8e: {  	[smem:$0x3FC6] =	sst s2  }
0x8f: {  	_ = 	snop  }
0x90: {  	s2 =	sld [smem:$0x3FC9]  }
0x91: {  	s19 =	sld [smem:$0x3FC8]  }
0x92: {  	s4 =	sld [smem:$0x3FD0];
	(tm) =	ssettm $0x1  }
0x93: {  	s5 =	sld [smem:$0x3FFB];
	_ =	sdelay $0x3  }
0x94: {  	_ =	strace s5  }
0x95: {  	s5 =	sld [smem:$0x3FFC];
	_ =	sdelay $0x3  }
0x96: {  	_ =	strace s5  }
0x97: {  	s5 =	sld [smem:$0x3FFD];
	_ =	sdelay $0x3  }
0x98: {  	_ =	strace s5  }
0x99: {  	_ =	strace $0x8FFFFFFF  }
0x9a: {  	s20 =	sld [smem:$0x3FDB];
	_ =	sdelay $0x1  }
0x9b: {  	s6 =	simm.s32 $_scs_section_size  }
0x9c: {  	s7 =	simm.s32 $_size__tile_overlayer_lowered;
	s8 =	simm.s32 $_tile_overlayer_lowered  }
0x9d: {  	s23 =	simm.s32 $0x1BFF;
	s22 =	sshll.u32 s8, $0x1;
	s5 =	sadd.s32 s6, s20  }
0x9e: {  	s9 =	simm.s32 $0x0;
	s21 =	sshll.u32 s7, $0x1;
	s7 =	sadd.s32 s22, s5  }
0x9f: {  	[timem:s9], [sflag:s23] =	dma.local [hbm:s7], s21  }
0xa0: {  	_ =	swait.ge [sflag:s23], s21  }
0xa1: {  	s6 =	ssub.s32 $0x0, s21;
	[sflag:s23] =	ssyncset.done $0x0  }
0xa2: {  	[sflag:s23] =	ssyncadd.s32 s6;
	_ =	sdelay $0x1  }
0xa3: {  	s24 =	simm.s32 $0x1B8B  }
0xa4: {  	_ =	swait.ge [sflag:s24], $0x1  }
0xa5: {  	[sflag:s24] =	ssyncset.done $0x0  }
0xa6: {  	s25 =	simm.s32 $0x1B8E;
	[sflag:s24] =	ssyncadd.s32 $0xFFFFFFFF  }
0xa7: {  	s26 =	simm.s32 $execute0_lowered;
	[smem:$0x3FD2] =	sst s25  }
0xa8: {  	s6 =	sshll.u32 s26, $0x1;
	_ =	strace $0x80000046;
	[dreg:$0x1] =	wrdreg $0xFFFFFFFF  }
0xa9: {  	s28 =	simm.s32 $_size_execute0_lowered;
	s5 =	sadd.s32 s5, s6;
	[dreg:$0x0] =	wrdreg $0x0  }
0xaa: {  	s6 =	sshll.u32 s28, $0x1;
	[dreg:$0x2] =	wrdreg s5  }
0xab: {  	[dreg:$0x3] =	wrdreg s6  }
0xac: {  	[dreg:$0x4] =	wrdreg $0xC0  }
0xad: {  	_ =	task [dreg:s9], $0x5FFFF  }
0xae: {  	[dreg:$0x1] =	wrdreg $0xFFFFFFFF  }
0xaf: {  	[dreg:$0x0] =	wrdreg $0x60  }
0xb0: {  	[dreg:$0x2] =	wrdreg s2  }
0xb1: {  	[dreg:$0x3] =	wrdreg s19  }
0xb2: {  	[dreg:$0x4] =	wrdreg s4  }
0xb3: {  	[dreg:$0x5] =	wrdreg $0x8000  }
0xb4: {  	[dreg:$0x6] =	wrdreg $0x9  }
0xb5: {  	_ =	task.clear_ibuf [dreg:s9], $0x7FFFF;
	_ =	strace $0x90000046  }
0xb6: {  	s29 =	simm.s32 $0x9;
	_ =	strace $0x80000048  }
0xb7: {  	_ =	swait.ge [sflag:s29], $0x1  }
0xb8: {  	[sflag:s29] =	ssyncadd.s32 $0xFFFFFFFF  }
0xb9: {  	_ =	strace $0x90000048  }
0xba: {  	_ =	sfence  }
0xbb: {  	s30 =	sld [smem:$0x0];
	_ =	sdelay $0x2  }
0xbc: {  	s31 =	sshll.u32 s1, $0xD;
	s1 =	sshrl.u32 s1, $0x2  }
0xbd: {  	s3 =	sand.u32 $0x4000, s31;
	s1 =	sadd.s32 s1, s30  }
0xbe: {  	s0 =	sor.u32 s3, s0;
	s1 =	sshll.u32 s1, $0x11  }
0xbf: {  	s0 =	sor.u32 s1, s0  }
0xc0: {  	s0 =	sadd.s32 $0x8F2B, s0  }
0xc1: {  	[sflag:s0] =	ssyncadd.remote.s32 $0x1  }
0xc2: {  	_ =	sfence.sel $0xFFFF  }
0xc3: {  	[dreg:$0x0] =	wrdreg $0xFFFFFFFF;
	(pc) =	sbr.abs _section_cstart, $3  }
0xc4: {  	[dreg:$0x1] =	wrdreg $0xFFFFFFFF  }
0xc5: {  	_ =	task.clear_ibuf [dreg:s9], $0x2FFFF;
	_ =	strace $0x9FFFFFFF  }
0xc6: {  	(tm) =	ssettm $0x7FFFFFFF  }
0xc7: {  	_ =	shalt  }
tec
execute0_lowered:
.L_overlay_start_1:
0x0: {  	(tag) =	ssettag $0x1  }
0x1: {  	s3 =	rddreg [dreg:$0x0]  }
0x2: {  	s0 =	rddreg [dreg:$0x1]  }
0x3: {  	s1 =	srdreg.scid;
	s5 =	stileid.u32  }
0x4: {  	s6 =	rddreg [dreg:$0x2];
	s26 =	simm.s32 $0x888;
	s29 =	simm.s32 $0x848  }
0x5: {  	s30 =	simm.s32 $0xA48;
	s31 =	simm.s32 $0xAC8;
	s10 =	simm.s32 $0xB48  }
0x6: {  	s11 =	simm.s32 $0xBC8;
	s12 =	simm.s32 $0xC48;
	s14 =	simm.s32 $0xAE48  }
0x7: {  	s15 =	simm.s32 $0xD48;
	s16 =	simm.s32 $0xCE48;
	s4 =	sand.u32 $0x1, s1  }
0x8: {  	[dreg:$0x5] =	wrdreg s0;
	s17 =	sshll.u32 s5, $0xA;
	s2 =	sshll.u32 s4, $0x9  }
0x9: {  	s1 =	rddreg [dreg:$0x3];
	s7 =	sor.u32 s2, s17;
	s2 =	simm.s32 $0x0  }
0xa: {  	s28 =	simm.s32 $0xA;
	p0 =	sne.s32 s5, $0x0;
	[smem:$0x7FF] =	sst s2  }
0xb: {  	s4 =	ssub.s32 $0x2, s4;
	_ =	strace $0x80000047;
	[dreg:$0xf] =	wrdreg s26  }
0xc: {  	s5 =	simm.s32 $0xC;
	s25 =	sshrl.u32 s4, $0x1;
	[dreg:$0x10] =	wrdreg s29  }
0xd: {  	s17 =	simm.s32 $0xDC8;
	s8 =	sor.u32 $0x40, s7;
	[dreg:$0x11] =	wrdreg s30  }
0xe: {  	s18 =	sshrl.u32 s7, $0x3;
	s7 =	sshll.u32 s7, $0x4;
	[dreg:$0x12] =	wrdreg s31  }
0xf: {  	s4 =	ssub.s32 s4, s25;
	s25 =	simm.s32 $0x8;
	[dreg:$0x13] =	wrdreg s10  }
0x10: {  	s9 =	sshrl.u32 s8, $0x3;
	s8 =	sshll.u32 s8, $0x4;
	[dreg:$0x14] =	wrdreg s11  }
0x11: {  	s4 =	smax.u32 s4, $0x1;
	[dreg:$0x15] =	wrdreg s12;
	s9 =	sadd.s32 s3, s9  }
0x12: {  	s10 =	simm.s32 $0x4E48;
	s3 =	sadd.s32 s3, s18;
	[dreg:$0x6] =	wrdreg s9  }
0x13: {  	[dreg:$0x7] =	wrdreg s3;
	s3 =	sadd.s32 s6, s7;
	s6 =	sadd.s32 s6, s8  }
0x14: {  	s11 =	simm.s32 $0x6E48;
	[dreg:$0x8] =	wrdreg s6;
	s19 =	sadd.s32 $0x800, s3  }
0x15: {  	s12 =	simm.s32 $0x8E48;
	s20 =	sadd.s32 $0xC00, s3;
	[dreg:$0x9] =	wrdreg s19  }
0x16: {  	s26 =	simm.s32 $0x9;
	s21 =	sadd.s32 $0x1000, s3;
	[dreg:$0xa] =	wrdreg s20  }
0x17: {  	s18 =	simm.s32 $0xEE48;
	s22 =	sadd.s32 $0x1400, s3;
	[dreg:$0xb] =	wrdreg s21  }
0x18: {  	s7 =	simm.s32 $0x40;
	s23 =	sadd.s32 $0x1800, s3;
	[dreg:$0xc] =	wrdreg s22  }
0x19: {  	s8 =	simm.s32 $0xE48;
	s24 =	sadd.s32 $0x1C00, s3;
	[dreg:$0xd] =	wrdreg s23  }
0x1a: {  	s9 =	simm.s32 $0x2E48;
	s6 =	simm.s32 $0xB;
	[dreg:$0xe] =	wrdreg s24  }
0x1b: {  	s19 =	simm.s32 $0x2;
	s20 =	simm.s32 $0x3;
	s21 =	simm.s32 $0x4  }
0x1c: {  	v0 =	vimm.s32 $0x0;
	s22 =	simm.s32 $0x5;
	s23 =	simm.s32 $0x6;
	s24 =	simm.s32 $0x7  }
.LBB2_1:
0x1d: {  	s30 =	rddreg [dreg:$0x5]  }
0x1e: {  	s31 =	rddreg [dreg:$0xf]  }
0x1f: {  	s29 =	simm.s32 @!p0 $0x0;
	s0 =	rddreg [dreg:$0x7]  }
0x20: {  	[tilespmem:s29], [sflag:$0x1] =	stream.linear.gather @!p0 [hbm4b:s30+s29], $0x480, $0x38;
	[tilespmem:$0x10E48] =	vst v63  }
0x21: {  	s30 =	rddreg [dreg:$0x6]  }
0x22: {  	[tilespmem:s31], [sflag:$0xB] =	stream.linear.gather [hbm4b:s30+s2], $0x1C0, $0x38;
	[tilespmem:$0x10E48] =	vst v63  }
0x23: {  	s13 =	rddreg [dreg:$0x10]  }
0x24: {  	[tilespmem:s13], [sflag:$0xC] =	stream.linear.gather [hbm4b:s0+s2], $0x40, $0x38;
	[tilespmem:$0x10E48] =	vst v63  }
0x25: {  	_ =	swait.ge [sflag:s5], $0x40  }
0x26: {  	[sflag:s5] =	ssyncset.done $0x0  }
0x27: {  	[sflag:s5] =	ssyncadd.s32 $0xFFFFFFC0  }
0x28: {  	v1 =	vld [tilespmem:$0x848];
	_ =	sdelay $0x1  }
0x29: {  	v2 =	vld [tilespmem:$0x858];
	_ =	sdelay $0x2  }
0x2a: {  	vm0 =	vgt.s32 v1, $0x0;
	vm14 =	vgt.s32 v1, $0x7  }
0x2b: {  	vm15 =	vgt.s32 v1, $0xF;
	vm4 =	vgt.s32 v1, $0x1F;
	vm5 =	vgt.s32 v1, $0x3F  }
0x2c: {  	vm1 =	vgt.s32 v2, $0x0;
	vm6 =	vgt.s32 v2, $0x7;
	vm7 =	vgt.s32 v2, $0xF  }
0x2d: {  	vm8 =	vgt.s32 v2, $0x1F;
	vm9 =	vgt.s32 v2, $0x3F;
	v3 =	vnsel vm0, $0x0, v1  }
0x2e: {  	v4 =	vsel vm14, $0x1, v0;
	v30 =	vsel vm15, $0x1, v0;
	v31 =	vsel vm4, $0x1, v0  }
0x2f: {  	v1 =	vld [tilespmem:$0x868];
	v32 =	vsel vm5, $0x1, v0;
	v5 =	vnsel vm1, $0x0, v2;
	v3 =	vmin.u32 v3, $0x4  }
0x30: {  	v6 =	vsel vm6, $0x1, v0;
	v5 =	vmin.u32 v5, $0x4;
	v3 =	vadd.s32 v4, v3  }
0x31: {  	v33 =	vsel vm7, $0x1, v0;
	v2 =	vld [tilespmem:$0x878];
	v5 =	vadd.s32 v6, v5;
	v3 =	vadd.s32 v30, v3  }
0x32: {  	v35 =	vsel vm8, $0x1, v0;
	v34 =	vadd.s32 v33, v5;
	v3 =	vadd.s32 v31, v3  }
0x33: {  	v36 =	vsel vm9, $0x1, v0;
	v4 =	vadd.s32 v35, v34;
	v3 =	vadd.s32 v32, v3  }
0x34: {  	vm10 =	vgt.s32 v1, $0x0;
	vm11 =	vgt.s32 v1, $0x7;
	vm12 =	vgt.s32 v1, $0xF  }
0x35: {  	vm13 =	vgt.s32 v1, $0x1F;
	v4 =	vadd.s32 v36, v4;
	vm14 =	vgt.s32 v1, $0x3F  }
0x36: {  	vm15 =	vgt.s32 v2, $0x0;
	vm4 =	vgt.s32 v2, $0x7;
	vm5 =	vgt.s32 v2, $0xF  }
0x37: {  	vm6 =	vgt.s32 v2, $0x1F;
	vm7 =	vgt.s32 v2, $0x3F;
	v37 =	vnsel vm10, $0x0, v1  }
0x38: {  	v7 =	vsel vm11, $0x1, v0;
	v38 =	vsel vm12, $0x1, v0;
	v6 =	vmin.u32 v37, $0x4  }
0x39: {  	v40 =	vsel vm13, $0x1, v0;
	v41 =	vnsel vm15, $0x0, v2;
	v6 =	vadd.s32 v7, v6  }
0x3a: {  	v42 =	vsel vm4, $0x1, v0;
	v39 =	vadd.s32 v38, v6;
	v6 =	vmin.u32 v41, $0x4  }
0x3b: {  	v1 =	vsel vm14, $0x1, v0;
	v43 =	vsel vm5, $0x1, v0;
	v6 =	vadd.s32 v42, v6  }
0x3c: {  	[tilespmem:$0xA48] =	vst v3;
	v44 =	vsel vm6, $0x1, v0;
	v5 =	vadd.s32 v40, v39;
	v3 =	vadd.s32 v43, v6  }
0x3d: {  	[tilespmem:$0xA58] =	vst v4;
	v1 =	vadd.s32 v1, v5;
	v2 =	vadd.s32 v44, v3;
	v3 =	vsel vm7, $0x1, v0  }
0x3e: {  	[tilespmem:$0xA68] =	vst v1;
	v1 =	vadd.s32 v3, v2  }
0x3f: {  	s0 =	simm.s32 @!p0 $0x1;
	[tilespmem:$0xA78] =	vst v1  }
0x40: {  	_ =	swait.ge @!p0 [sflag:s0], $0x480  }
0x41: {  	[sflag:s0] =	ssyncset.done @!p0 $0x0  }
0x42: {  	[sflag:s0] =	ssyncadd.s32 @!p0 $0xFFFFFB80;
	s0 =	simm.s32 @!p0 $0xC  }
0x43: {  	[spmem:s1] =	stream.linear.scatter @!p0 [tilespmem:s29], [sflag:$0xC], $0x480, $0x38;
	[tilespmem:$0x10E48] =	vst v63  }
0x44: {  	_ =	swait.ge @!p0 [sflag:s0], $0x480  }
0x45: {  	[sflag:s0] =	ssyncset.done @!p0 $0x0  }
0x46: {  	[sflag:s0] =	ssyncadd.s32 @!p0 $0xFFFFFB80  }
0x47: {  	_ =	swait.ge [sflag:s6], $0x1C0  }
0x48: {  	[sflag:s6] =	ssyncset.done $0x0  }
0x49: {  	[sflag:s6] =	ssyncadd.s32 $0xFFFFFE40  }
0x4a: {  	[bflag:$0x0] =	sbarrier.arrive $0xFFFF  }
0x4b: {  	s31 =	rddreg [dreg:$0x11]  }
0x4c: {  	[tilespmem:s8], [sflag:$0x2] =	stream.indirect.gather [spmem:s1], $0x80, s31, s7, $0xb8;
	[tilespmem:$0x10E48] =	vst v63  }
0x4d: {  	v1 =	vld [tilespmem:$0x888];
	_ =	sdelay $0x1  }
0x4e: {  	v2 =	vld [tilespmem:$0x898];
	_ =	sdelay $0x2  }
0x4f: {  	vm8 =	vgt.s32 v1, $0x0;
	vm9 =	vgt.s32 v1, $0x7  }
0x50: {  	vm10 =	vgt.s32 v1, $0xF;
	vm11 =	vgt.s32 v1, $0x1F;
	vm12 =	vgt.s32 v1, $0x3F  }
0x51: {  	vm13 =	vgt.s32 v2, $0x0;
	vm14 =	vgt.s32 v2, $0x7;
	vm15 =	vgt.s32 v2, $0xF  }
0x52: {  	vm4 =	vgt.s32 v2, $0x1F;
	vm5 =	vgt.s32 v2, $0x3F;
	v3 =	vnsel vm8, $0x0, v1  }
0x53: {  	v45 =	vsel vm9, $0x1, v0;
	v46 =	vsel vm10, $0x1, v0;
	v47 =	vsel vm11, $0x1, v0  }
0x54: {  	v1 =	vld [tilespmem:$0x8A8];
	v48 =	vsel vm12, $0x1, v0;
	v49 =	vnsel vm13, $0x0, v2;
	v3 =	vmin.u32 v3, $0x4  }
0x55: {  	v50 =	vsel vm14, $0x1, v0;
	v5 =	vmin.u32 v49, $0x4;
	v3 =	vadd.s32 v45, v3  }
0x56: {  	v51 =	vsel vm15, $0x1, v0;
	v2 =	vld [tilespmem:$0x8B8];
	v5 =	vadd.s32 v50, v5;
	v3 =	vadd.s32 v46, v3  }
0x57: {  	v53 =	vsel vm4, $0x1, v0;
	v52 =	vadd.s32 v51, v5;
	v3 =	vadd.s32 v47, v3  }
0x58: {  	v54 =	vsel vm5, $0x1, v0;
	v4 =	vadd.s32 v53, v52;
	v3 =	vadd.s32 v48, v3  }
0x59: {  	vm6 =	vgt.s32 v1, $0x0;
	vm7 =	vgt.s32 v1, $0x7;
	vm8 =	vgt.s32 v1, $0xF  }
0x5a: {  	vm9 =	vgt.s32 v1, $0x1F;
	v4 =	vadd.s32 v54, v4;
	vm10 =	vgt.s32 v1, $0x3F  }
0x5b: {  	vm11 =	vgt.s32 v2, $0x0;
	vm12 =	vgt.s32 v2, $0x7;
	vm13 =	vgt.s32 v2, $0xF  }
0x5c: {  	vm14 =	vgt.s32 v2, $0x1F;
	vm15 =	vgt.s32 v2, $0x3F;
	v55 =	vnsel vm6, $0x0, v1  }
0x5d: {  	v56 =	vsel vm7, $0x1, v0;
	v57 =	vsel vm8, $0x1, v0;
	v6 =	vmin.u32 v55, $0x4  }
0x5e: {  	v59 =	vsel vm9, $0x1, v0;
	v60 =	vnsel vm11, $0x0, v2;
	v6 =	vadd.s32 v56, v6  }
0x5f: {  	v61 =	vsel vm12, $0x1, v0;
	v58 =	vadd.s32 v57, v6;
	v6 =	vmin.u32 v60, $0x4  }
0x60: {  	v1 =	vsel vm10, $0x1, v0;
	v62 =	vsel vm13, $0x1, v0;
	v6 =	vadd.s32 v61, v6  }
0x61: {  	[tilespmem:$0xAC8] =	vst v3;
	v63 =	vsel vm14, $0x1, v0;
	v5 =	vadd.s32 v59, v58;
	v3 =	vadd.s32 v62, v6  }
0x62: {  	[tilespmem:$0xAD8] =	vst v4;
	v1 =	vadd.s32 v1, v5;
	v2 =	vadd.s32 v63, v3;
	v3 =	vsel vm15, $0x1, v0  }
0x63: {  	[tilespmem:$0xAE8] =	vst v1;
	v1 =	vadd.s32 v3, v2  }
0x64: {  	s13 =	rddreg [dreg:$0x12];
	[tilespmem:$0xAF8] =	vst v1  }
0x65: {  	[tilespmem:s9], [sflag:$0x3] =	stream.indirect.gather [spmem:s1], $0x80, s13, s7, $0xb8;
	[tilespmem:$0x10E48] =	vst v63  }
0x66: {  	v1 =	vld [tilespmem:$0x8C8];
	_ =	sdelay $0x1  }
0x67: {  	v2 =	vld [tilespmem:$0x8D8];
	_ =	sdelay $0x2  }
0x68: {  	vm4 =	vgt.s32 v1, $0x0;
	vm5 =	vgt.s32 v1, $0x7  }
0x69: {  	vm6 =	vgt.s32 v1, $0xF;
	vm7 =	vgt.s32 v1, $0x1F;
	vm8 =	vgt.s32 v1, $0x3F  }
0x6a: {  	vm9 =	vgt.s32 v2, $0x0;
	vm10 =	vgt.s32 v2, $0x7;
	vm11 =	vgt.s32 v2, $0xF  }
0x6b: {  	vm12 =	vgt.s32 v2, $0x1F;
	vm13 =	vgt.s32 v2, $0x3F;
	v3 =	vnsel vm4, $0x0, v1  }
0x6c: {  	v9 =	vsel vm5, $0x1, v0;
	v10 =	vsel vm6, $0x1, v0;
	v11 =	vsel vm7, $0x1, v0  }
0x6d: {  	v1 =	vld [tilespmem:$0x8E8];
	v12 =	vsel vm8, $0x1, v0;
	v13 =	vnsel vm9, $0x0, v2;
	v3 =	vmin.u32 v3, $0x4  }
0x6e: {  	v14 =	vsel vm10, $0x1, v0;
	v5 =	vmin.u32 v13, $0x4;
	v3 =	vadd.s32 v9, v3  }
0x6f: {  	v15 =	vsel vm11, $0x1, v0;
	v2 =	vld [tilespmem:$0x8F8];
	v5 =	vadd.s32 v14, v5;
	v3 =	vadd.s32 v10, v3  }
0x70: {  	v17 =	vsel vm12, $0x1, v0;
	v16 =	vadd.s32 v15, v5;
	v3 =	vadd.s32 v11, v3  }
0x71: {  	v18 =	vsel vm13, $0x1, v0;
	v4 =	vadd.s32 v17, v16;
	v3 =	vadd.s32 v12, v3  }
0x72: {  	vm14 =	vgt.s32 v1, $0x0;
	vm15 =	vgt.s32 v1, $0x7;
	vm4 =	vgt.s32 v1, $0xF  }
0x73: {  	vm5 =	vgt.s32 v1, $0x1F;
	v4 =	vadd.s32 v18, v4;
	vm6 =	vgt.s32 v1, $0x3F  }
0x74: {  	vm7 =	vgt.s32 v2, $0x0;
	vm8 =	vgt.s32 v2, $0x7;
	vm9 =	vgt.s32 v2, $0xF  }
0x75: {  	vm10 =	vgt.s32 v2, $0x1F;
	vm11 =	vgt.s32 v2, $0x3F;
	v19 =	vnsel vm14, $0x0, v1  }
0x76: {  	v20 =	vsel vm15, $0x1, v0;
	v21 =	vsel vm4, $0x1, v0;
	v6 =	vmin.u32 v19, $0x4  }
0x77: {  	v23 =	vsel vm5, $0x1, v0;
	v24 =	vnsel vm7, $0x0, v2;
	v6 =	vadd.s32 v20, v6  }
0x78: {  	v25 =	vsel vm8, $0x1, v0;
	v22 =	vadd.s32 v21, v6;
	v6 =	vmin.u32 v24, $0x4  }
0x79: {  	v1 =	vsel vm6, $0x1, v0;
	v26 =	vsel vm9, $0x1, v0;
	v6 =	vadd.s32 v25, v6  }
0x7a: {  	[tilespmem:$0xB48] =	vst v3;
	v27 =	vsel vm10, $0x1, v0;
	v5 =	vadd.s32 v23, v22;
	v3 =	vadd.s32 v26, v6  }
0x7b: {  	[tilespmem:$0xB58] =	vst v4;
	v1 =	vadd.s32 v1, v5;
	v2 =	vadd.s32 v27, v3;
	v3 =	vsel vm11, $0x1, v0  }
0x7c: {  	[tilespmem:$0xB68] =	vst v1;
	v1 =	vadd.s32 v3, v2  }
0x7d: {  	s29 =	rddreg [dreg:$0x13];
	[tilespmem:$0xB78] =	vst v1  }
0x7e: {  	[tilespmem:s10], [sflag:$0x4] =	stream.indirect.gather [spmem:s1], $0x80, s29, s7, $0xb8;
	[tilespmem:$0x10E48] =	vst v63  }
0x7f: {  	v1 =	vld [tilespmem:$0x908];
	_ =	sdelay $0x1  }
0x80: {  	v2 =	vld [tilespmem:$0x918];
	_ =	sdelay $0x2  }
0x81: {  	vm12 =	vgt.s32 v1, $0x0;
	vm13 =	vgt.s32 v1, $0x7  }
0x82: {  	vm14 =	vgt.s32 v1, $0xF;
	vm15 =	vgt.s32 v1, $0x1F;
	vm4 =	vgt.s32 v1, $0x3F  }
0x83: {  	vm5 =	vgt.s32 v2, $0x0;
	vm6 =	vgt.s32 v2, $0x7;
	vm7 =	vgt.s32 v2, $0xF  }
0x84: {  	vm8 =	vgt.s32 v2, $0x1F;
	vm9 =	vgt.s32 v2, $0x3F;
	v3 =	vnsel vm12, $0x0, v1  }
0x85: {  	v28 =	vsel vm13, $0x1, v0;
	v29 =	vsel vm14, $0x1, v0;
	v30 =	vsel vm15, $0x1, v0  }
0x86: {  	v1 =	vld [tilespmem:$0x928];
	v31 =	vsel vm4, $0x1, v0;
	v32 =	vnsel vm5, $0x0, v2;
	v3 =	vmin.u32 v3, $0x4  }
0x87: {  	v33 =	vsel vm6, $0x1, v0;
	v5 =	vmin.u32 v32, $0x4;
	v3 =	vadd.s32 v28, v3  }
0x88: {  	v34 =	vsel vm7, $0x1, v0;
	v2 =	vld [tilespmem:$0x938];
	v5 =	vadd.s32 v33, v5;
	v3 =	vadd.s32 v29, v3  }
0x89: {  	v36 =	vsel vm8, $0x1, v0;
	v35 =	vadd.s32 v34, v5;
	v3 =	vadd.s32 v30, v3  }
0x8a: {  	v37 =	vsel vm9, $0x1, v0;
	v4 =	vadd.s32 v36, v35;
	v3 =	vadd.s32 v31, v3  }
0x8b: {  	vm10 =	vgt.s32 v1, $0x0;
	vm11 =	vgt.s32 v1, $0x7;
	vm12 =	vgt.s32 v1, $0xF  }
0x8c: {  	vm13 =	vgt.s32 v1, $0x1F;
	v4 =	vadd.s32 v37, v4;
	vm14 =	vgt.s32 v1, $0x3F  }
0x8d: {  	vm15 =	vgt.s32 v2, $0x0;
	vm4 =	vgt.s32 v2, $0x7;
	vm5 =	vgt.s32 v2, $0xF  }
0x8e: {  	vm6 =	vgt.s32 v2, $0x1F;
	vm7 =	vgt.s32 v2, $0x3F;
	v38 =	vnsel vm10, $0x0, v1  }
0x8f: {  	v39 =	vsel vm11, $0x1, v0;
	v40 =	vsel vm12, $0x1, v0;
	v6 =	vmin.u32 v38, $0x4  }
0x90: {  	v42 =	vsel vm13, $0x1, v0;
	v43 =	vnsel vm15, $0x0, v2;
	v6 =	vadd.s32 v39, v6  }
0x91: {  	v44 =	vsel vm4, $0x1, v0;
	v41 =	vadd.s32 v40, v6;
	v6 =	vmin.u32 v43, $0x4  }
0x92: {  	v1 =	vsel vm14, $0x1, v0;
	v45 =	vsel vm5, $0x1, v0;
	v6 =	vadd.s32 v44, v6  }
0x93: {  	[tilespmem:$0xBC8] =	vst v3;
	v46 =	vsel vm6, $0x1, v0;
	v5 =	vadd.s32 v42, v41;
	v3 =	vadd.s32 v45, v6  }
0x94: {  	[tilespmem:$0xBD8] =	vst v4;
	v1 =	vadd.s32 v1, v5;
	v2 =	vadd.s32 v46, v3;
	v3 =	vsel vm7, $0x1, v0  }
0x95: {  	[tilespmem:$0xBE8] =	vst v1;
	v1 =	vadd.s32 v3, v2  }
0x96: {  	s30 =	rddreg [dreg:$0x14];
	[tilespmem:$0xBF8] =	vst v1  }
0x97: {  	[tilespmem:s11], [sflag:$0x5] =	stream.indirect.gather [spmem:s1], $0x80, s30, s7, $0xb8;
	[tilespmem:$0x10E48] =	vst v63  }
0x98: {  	v1 =	vld [tilespmem:$0x948];
	_ =	sdelay $0x1  }
0x99: {  	v2 =	vld [tilespmem:$0x958];
	_ =	sdelay $0x2  }
0x9a: {  	vm8 =	vgt.s32 v1, $0x0;
	vm9 =	vgt.s32 v1, $0x7  }
0x9b: {  	vm10 =	vgt.s32 v1, $0xF;
	vm11 =	vgt.s32 v1, $0x1F;
	vm12 =	vgt.s32 v1, $0x3F  }
0x9c: {  	vm13 =	vgt.s32 v2, $0x0;
	vm14 =	vgt.s32 v2, $0x7;
	vm15 =	vgt.s32 v2, $0xF  }
0x9d: {  	vm4 =	vgt.s32 v2, $0x1F;
	vm5 =	vgt.s32 v2, $0x3F;
	v3 =	vnsel vm8, $0x0, v1  }
0x9e: {  	v47 =	vsel vm9, $0x1, v0;
	v48 =	vsel vm10, $0x1, v0;
	v49 =	vsel vm11, $0x1, v0  }
0x9f: {  	v1 =	vld [tilespmem:$0x968];
	v50 =	vsel vm12, $0x1, v0;
	v51 =	vnsel vm13, $0x0, v2;
	v3 =	vmin.u32 v3, $0x4  }
0xa0: {  	v52 =	vsel vm14, $0x1, v0;
	v5 =	vmin.u32 v51, $0x4;
	v3 =	vadd.s32 v47, v3  }
0xa1: {  	v53 =	vsel vm15, $0x1, v0;
	v2 =	vld [tilespmem:$0x978];
	v5 =	vadd.s32 v52, v5;
	v3 =	vadd.s32 v48, v3  }
0xa2: {  	v55 =	vsel vm4, $0x1, v0;
	v54 =	vadd.s32 v53, v5;
	v3 =	vadd.s32 v49, v3  }
0xa3: {  	v56 =	vsel vm5, $0x1, v0;
	v4 =	vadd.s32 v55, v54;
	v3 =	vadd.s32 v50, v3  }
0xa4: {  	vm6 =	vgt.s32 v1, $0x0;
	vm7 =	vgt.s32 v1, $0x7;
	vm8 =	vgt.s32 v1, $0xF  }
0xa5: {  	vm9 =	vgt.s32 v1, $0x1F;
	v4 =	vadd.s32 v56, v4;
	vm10 =	vgt.s32 v1, $0x3F  }
0xa6: {  	vm11 =	vgt.s32 v2, $0x0;
	vm12 =	vgt.s32 v2, $0x7;
	vm13 =	vgt.s32 v2, $0xF  }
0xa7: {  	vm14 =	vgt.s32 v2, $0x1F;
	vm15 =	vgt.s32 v2, $0x3F;
	v57 =	vnsel vm6, $0x0, v1  }
0xa8: {  	v58 =	vsel vm7, $0x1, v0;
	v59 =	vsel vm8, $0x1, v0;
	v6 =	vmin.u32 v57, $0x4  }
0xa9: {  	v61 =	vsel vm9, $0x1, v0;
	v62 =	vnsel vm11, $0x0, v2;
	v6 =	vadd.s32 v58, v6  }
0xaa: {  	v63 =	vsel vm12, $0x1, v0;
	v60 =	vadd.s32 v59, v6;
	v6 =	vmin.u32 v62, $0x4  }
0xab: {  	v1 =	vsel vm10, $0x1, v0;
	v9 =	vsel vm13, $0x1, v0;
	v6 =	vadd.s32 v63, v6  }
0xac: {  	[tilespmem:$0xC48] =	vst v3;
	v10 =	vsel vm14, $0x1, v0;
	v5 =	vadd.s32 v61, v60;
	v3 =	vadd.s32 v9, v6  }
0xad: {  	[tilespmem:$0xC58] =	vst v4;
	v1 =	vadd.s32 v1, v5;
	v2 =	vadd.s32 v10, v3;
	v3 =	vsel vm15, $0x1, v0  }
0xae: {  	[tilespmem:$0xC68] =	vst v1;
	v1 =	vadd.s32 v3, v2  }
0xaf: {  	s31 =	rddreg [dreg:$0x15];
	[tilespmem:$0xC78] =	vst v1  }
0xb0: {  	[tilespmem:s12], [sflag:$0x6] =	stream.indirect.gather [spmem:s1], $0x80, s31, s7, $0xb8;
	[tilespmem:$0x10E48] =	vst v63  }
0xb1: {  	v1 =	vld [tilespmem:$0x988];
	_ =	sdelay $0x1  }
0xb2: {  	v2 =	vld [tilespmem:$0x998];
	_ =	sdelay $0x2  }
0xb3: {  	vm4 =	vgt.s32 v1, $0x0;
	vm5 =	vgt.s32 v1, $0x7  }
0xb4: {  	vm6 =	vgt.s32 v1, $0xF;
	vm7 =	vgt.s32 v1, $0x1F;
	vm8 =	vgt.s32 v1, $0x3F  }
0xb5: {  	vm9 =	vgt.s32 v2, $0x0;
	vm10 =	vgt.s32 v2, $0x7;
	vm11 =	vgt.s32 v2, $0xF  }
0xb6: {  	vm12 =	vgt.s32 v2, $0x1F;
	vm13 =	vgt.s32 v2, $0x3F;
	v3 =	vnsel vm4, $0x0, v1  }
0xb7: {  	v11 =	vsel vm5, $0x1, v0;
	v12 =	vsel vm6, $0x1, v0;
	v13 =	vsel vm7, $0x1, v0  }
0xb8: {  	v1 =	vld [tilespmem:$0x9A8];
	v14 =	vsel vm8, $0x1, v0;
	v15 =	vnsel vm9, $0x0, v2;
	v3 =	vmin.u32 v3, $0x4  }
0xb9: {  	v16 =	vsel vm10, $0x1, v0;
	v5 =	vmin.u32 v15, $0x4;
	v3 =	vadd.s32 v11, v3  }
0xba: {  	v17 =	vsel vm11, $0x1, v0;
	v2 =	vld [tilespmem:$0x9B8];
	v5 =	vadd.s32 v16, v5;
	v3 =	vadd.s32 v12, v3  }
0xbb: {  	v19 =	vsel vm12, $0x1, v0;
	v18 =	vadd.s32 v17, v5;
	v3 =	vadd.s32 v13, v3  }
0xbc: {  	v20 =	vsel vm13, $0x1, v0;
	v4 =	vadd.s32 v19, v18;
	v3 =	vadd.s32 v14, v3  }
0xbd: {  	vm14 =	vgt.s32 v1, $0x0;
	vm15 =	vgt.s32 v1, $0x7;
	vm4 =	vgt.s32 v1, $0xF  }
0xbe: {  	vm5 =	vgt.s32 v1, $0x1F;
	v4 =	vadd.s32 v20, v4;
	vm6 =	vgt.s32 v1, $0x3F  }
0xbf: {  	vm7 =	vgt.s32 v2, $0x0;
	vm8 =	vgt.s32 v2, $0x7;
	vm9 =	vgt.s32 v2, $0xF  }
0xc0: {  	vm10 =	vgt.s32 v2, $0x1F;
	vm11 =	vgt.s32 v2, $0x3F;
	v21 =	vnsel vm14, $0x0, v1  }
0xc1: {  	v22 =	vsel vm15, $0x1, v0;
	v23 =	vsel vm4, $0x1, v0;
	v6 =	vmin.u32 v21, $0x4  }
0xc2: {  	v25 =	vsel vm5, $0x1, v0;
	v26 =	vnsel vm7, $0x0, v2;
	v6 =	vadd.s32 v22, v6  }
0xc3: {  	v27 =	vsel vm8, $0x1, v0;
	v24 =	vadd.s32 v23, v6;
	v6 =	vmin.u32 v26, $0x4  }
0xc4: {  	v1 =	vsel vm6, $0x1, v0;
	v28 =	vsel vm9, $0x1, v0;
	v6 =	vadd.s32 v27, v6  }
0xc5: {  	[tilespmem:$0xCC8] =	vst v3;
	v29 =	vsel vm10, $0x1, v0;
	v5 =	vadd.s32 v25, v24;
	v3 =	vadd.s32 v28, v6  }
0xc6: {  	[tilespmem:$0xCD8] =	vst v4;
	v1 =	vadd.s32 v1, v5;
	v2 =	vadd.s32 v29, v3;
	v3 =	vsel vm11, $0x1, v0  }
0xc7: {  	[tilespmem:$0xCE8] =	vst v1;
	v1 =	vadd.s32 v3, v2  }
0xc8: {  	s13 =	simm.s32 $0xCC8;
	[tilespmem:$0xCF8] =	vst v1  }
0xc9: {  	[tilespmem:s14], [sflag:$0x7] =	stream.indirect.gather [spmem:s1], $0x80, s13, s7, $0xb8;
	[tilespmem:$0x10E48] =	vst v63  }
0xca: {  	v1 =	vld [tilespmem:$0x9C8];
	_ =	sdelay $0x1  }
0xcb: {  	v2 =	vld [tilespmem:$0x9D8];
	_ =	sdelay $0x2  }
0xcc: {  	vm12 =	vgt.s32 v1, $0x0;
	vm13 =	vgt.s32 v1, $0x7  }
0xcd: {  	vm14 =	vgt.s32 v1, $0xF;
	vm15 =	vgt.s32 v1, $0x1F;
	vm4 =	vgt.s32 v1, $0x3F  }
0xce: {  	vm5 =	vgt.s32 v2, $0x0;
	vm6 =	vgt.s32 v2, $0x7;
	vm7 =	vgt.s32 v2, $0xF  }
0xcf: {  	vm8 =	vgt.s32 v2, $0x1F;
	vm9 =	vgt.s32 v2, $0x3F;
	v3 =	vnsel vm12, $0x0, v1  }
0xd0: {  	v30 =	vsel vm13, $0x1, v0;
	v31 =	vsel vm14, $0x1, v0;
	v32 =	vsel vm15, $0x1, v0  }
0xd1: {  	v1 =	vld [tilespmem:$0x9E8];
	v33 =	vsel vm4, $0x1, v0;
	v34 =	vnsel vm5, $0x0, v2;
	v3 =	vmin.u32 v3, $0x4  }
0xd2: {  	v35 =	vsel vm6, $0x1, v0;
	v5 =	vmin.u32 v34, $0x4;
	v3 =	vadd.s32 v30, v3  }
0xd3: {  	v36 =	vsel vm7, $0x1, v0;
	v2 =	vld [tilespmem:$0x9F8];
	v5 =	vadd.s32 v35, v5;
	v3 =	vadd.s32 v31, v3  }
0xd4: {  	v38 =	vsel vm8, $0x1, v0;
	v37 =	vadd.s32 v36, v5;
	v3 =	vadd.s32 v32, v3  }
0xd5: {  	v39 =	vsel vm9, $0x1, v0;
	v4 =	vadd.s32 v38, v37;
	v3 =	vadd.s32 v33, v3  }
0xd6: {  	vm10 =	vgt.s32 v1, $0x0;
	vm11 =	vgt.s32 v1, $0x7;
	vm12 =	vgt.s32 v1, $0xF  }
0xd7: {  	vm13 =	vgt.s32 v1, $0x1F;
	v4 =	vadd.s32 v39, v4;
	vm14 =	vgt.s32 v1, $0x3F  }
0xd8: {  	vm15 =	vgt.s32 v2, $0x0;
	vm4 =	vgt.s32 v2, $0x7;
	vm5 =	vgt.s32 v2, $0xF  }
0xd9: {  	vm6 =	vgt.s32 v2, $0x1F;
	vm7 =	vgt.s32 v2, $0x3F;
	v40 =	vnsel vm10, $0x0, v1  }
0xda: {  	v41 =	vsel vm11, $0x1, v0;
	v42 =	vsel vm12, $0x1, v0;
	v6 =	vmin.u32 v40, $0x4  }
0xdb: {  	v44 =	vsel vm13, $0x1, v0;
	v45 =	vnsel vm15, $0x0, v2;
	v6 =	vadd.s32 v41, v6  }
0xdc: {  	v46 =	vsel vm4, $0x1, v0;
	v43 =	vadd.s32 v42, v6;
	v6 =	vmin.u32 v45, $0x4  }
0xdd: {  	v1 =	vsel vm14, $0x1, v0;
	v47 =	vsel vm5, $0x1, v0;
	v6 =	vadd.s32 v46, v6  }
0xde: {  	[tilespmem:$0xD48] =	vst v3;
	v48 =	vsel vm6, $0x1, v0;
	v5 =	vadd.s32 v44, v43;
	v3 =	vadd.s32 v47, v6  }
0xdf: {  	[tilespmem:$0xD58] =	vst v4;
	v1 =	vadd.s32 v1, v5;
	v2 =	vadd.s32 v48, v3;
	v3 =	vsel vm7, $0x1, v0  }
0xe0: {  	[tilespmem:$0xD68] =	vst v1;
	v1 =	vadd.s32 v3, v2  }
0xe1: {  	[tilespmem:$0xD78] =	vst v1  }
0xe2: {  	[tilespmem:s16], [sflag:$0x8] =	stream.indirect.gather [spmem:s1], $0x80, s15, s7, $0xb8;
	[tilespmem:$0x10E48] =	vst v63  }
0xe3: {  	v1 =	vld [tilespmem:$0xA08];
	_ =	sdelay $0x1  }
0xe4: {  	v2 =	vld [tilespmem:$0xA18]  }
0xe5: {  	v52 =	vld [tilespmem:$0xA28];
	_ =	sdelay $0x1  }
0xe6: {  	vm8 =	vgt.s32 v1, $0x0;
	vm9 =	vgt.s32 v1, $0x7  }
0xe7: {  	vm10 =	vgt.s32 v1, $0xF;
	vm11 =	vgt.s32 v1, $0x1F;
	vm12 =	vgt.s32 v1, $0x3F  }
0xe8: {  	vm13 =	vgt.s32 v2, $0x0;
	vm14 =	vgt.s32 v2, $0x7;
	vm15 =	vgt.s32 v2, $0xF  }
0xe9: {  	v56 =	vld [tilespmem:$0xA38];
	vm4 =	vgt.s32 v2, $0x1F;
	vm5 =	vgt.s32 v2, $0x3F;
	vm6 =	vgt.s32 v52, $0x0  }
0xea: {  	vm7 =	vgt.s32 v52, $0x7;
	v3 =	vnsel vm8, $0x0, v1;
	v49 =	vsel vm9, $0x1, v0  }
0xeb: {  	v50 =	vsel vm10, $0x1, v0;
	v51 =	vsel vm11, $0x1, v0;
	v53 =	vnsel vm13, $0x0, v2  }
0xec: {  	v54 =	vsel vm15, $0x1, v0;
	v55 =	vsel vm4, $0x1, v0;
	v57 =	vnsel vm6, $0x0, v52  }
0xed: {  	vm8 =	vgt.s32 v52, $0xF;
	vm9 =	vgt.s32 v52, $0x1F;
	v3 =	vmin.u32 v3, $0x4  }
0xee: {  	vm10 =	vgt.s32 v52, $0x3F;
	vm11 =	vgt.s32 v56, $0x0;
	v3 =	vadd.s32 v49, v3  }
0xef: {  	vm13 =	vgt.s32 v56, $0xF;
	vm15 =	vgt.s32 v56, $0x3F;
	v1 =	vadd.s32 v50, v3  }
0xf0: {  	v4 =	vmin.u32 v53, $0x4;
	v3 =	vsel vm12, $0x1, v0;
	v1 =	vadd.s32 v51, v1  }
0xf1: {  	v58 =	vsel vm8, $0x1, v0;
	v1 =	vadd.s32 v3, v1;
	v3 =	vsel vm14, $0x1, v0  }
0xf2: {  	v59 =	vsel vm9, $0x1, v0;
	v5 =	vsel vm10, $0x1, v0;
	v3 =	vadd.s32 v3, v4  }
0xf3: {  	v60 =	vnsel vm11, $0x0, v56;
	v62 =	vsel vm13, $0x1, v0;
	v2 =	vadd.s32 v54, v3  }
0xf4: {  	vm12 =	vgt.s32 v56, $0x7;
	v3 =	vsel vm5, $0x1, v0;
	v2 =	vadd.s32 v55, v2  }
0xf5: {  	v4 =	vmin.u32 v57, $0x4;
	v2 =	vadd.s32 v3, v2;
	v3 =	vsel vm7, $0x1, v0  }
0xf6: {  	v61 =	vsel vm12, $0x1, v0;
	v3 =	vadd.s32 v3, v4;
	v4 =	vmin.u32 v60, $0x4  }
0xf7: {  	vm14 =	vgt.s32 v56, $0x1F;
	v3 =	vadd.s32 v58, v3;
	v4 =	vadd.s32 v61, v4  }
0xf8: {  	[tilespmem:$0xDC8] =	vst v1;
	v63 =	vsel vm14, $0x1, v0;
	v3 =	vadd.s32 v59, v3;
	v1 =	vadd.s32 v62, v4  }
0xf9: {  	[tilespmem:$0xDD8] =	vst v2;
	v2 =	vadd.s32 v5, v3;
	v1 =	vadd.s32 v63, v1;
	v3 =	vsel vm15, $0x1, v0  }
0xfa: {  	[tilespmem:$0xDE8] =	vst v2;
	v1 =	vadd.s32 v3, v1  }
0xfb: {  	[tilespmem:$0xDF8] =	vst v1  }
0xfc: {  	[tilespmem:s18], [sflag:$0x9] =	stream.indirect.gather [spmem:s1], $0x80, s17, s7, $0xb8;
	[tilespmem:$0x10E48] =	vst v63  }
0xfd: {  	_ =	swait.ge [sflag:s19], $0x2000  }
0xfe: {  	[sflag:s19] =	ssyncset.done $0x0  }
0xff: {  	[sflag:s19] =	ssyncadd.s32 $0xFFFFE000  }
0x100: {  	[hbm4b:s3+s2] =	stream.linear.scatter [tilespmem:s8], [sflag:$0xA], $0x2000, $0x38;
	[tilespmem:$0x10E48] =	vst v63  }
0x101: {  	_ =	swait.ge [sflag:s20], $0x2000  }
0x102: {  	[sflag:s20] =	ssyncset.done $0x0  }
0x103: {  	s29 =	rddreg [dreg:$0x8];
	[sflag:s20] =	ssyncadd.s32 $0xFFFFE000  }
0x104: {  	[hbm4b:s29+s2] =	stream.linear.scatter [tilespmem:s9], [sflag:$0xA], $0x2000, $0x38;
	[tilespmem:$0x10E48] =	vst v63  }
0x105: {  	_ =	swait.ge [sflag:s21], $0x2000  }
0x106: {  	[sflag:s21] =	ssyncset.done $0x0  }
0x107: {  	s30 =	rddreg [dreg:$0x9];
	[sflag:s21] =	ssyncadd.s32 $0xFFFFE000  }
0x108: {  	[hbm4b:s30+s2] =	stream.linear.scatter [tilespmem:s10], [sflag:$0xA], $0x2000, $0x38;
	[tilespmem:$0x10E48] =	vst v63  }
0x109: {  	_ =	swait.ge [sflag:s22], $0x2000  }
0x10a: {  	[sflag:s22] =	ssyncset.done $0x0  }
0x10b: {  	s31 =	rddreg [dreg:$0xa];
	[sflag:s22] =	ssyncadd.s32 $0xFFFFE000  }
0x10c: {  	[hbm4b:s31+s2] =	stream.linear.scatter [tilespmem:s11], [sflag:$0xA], $0x2000, $0x38;
	[tilespmem:$0x10E48] =	vst v63  }
0x10d: {  	_ =	swait.ge [sflag:s23], $0x2000  }
0x10e: {  	[sflag:s23] =	ssyncset.done $0x0  }
0x10f: {  	s13 =	rddreg [dreg:$0xb];
	[sflag:s23] =	ssyncadd.s32 $0xFFFFE000  }
0x110: {  	[hbm4b:s13+s2] =	stream.linear.scatter [tilespmem:s12], [sflag:$0xA], $0x2000, $0x38;
	[tilespmem:$0x10E48] =	vst v63  }
0x111: {  	_ =	swait.ge [sflag:s24], $0x2000  }
0x112: {  	[sflag:s24] =	ssyncset.done $0x0  }
0x113: {  	s29 =	rddreg [dreg:$0xc];
	[sflag:s24] =	ssyncadd.s32 $0xFFFFE000  }
0x114: {  	[hbm4b:s29+s2] =	stream.linear.scatter [tilespmem:s14], [sflag:$0xA], $0x2000, $0x38;
	[tilespmem:$0x10E48] =	vst v63  }
0x115: {  	_ =	swait.ge [sflag:s25], $0x2000  }
0x116: {  	[sflag:s25] =	ssyncset.done $0x0  }
0x117: {  	s30 =	rddreg [dreg:$0xd];
	[sflag:s25] =	ssyncadd.s32 $0xFFFFE000  }
0x118: {  	[hbm4b:s30+s2] =	stream.linear.scatter [tilespmem:s16], [sflag:$0xA], $0x2000, $0x38;
	[tilespmem:$0x10E48] =	vst v63  }
0x119: {  	_ =	swait.ge [sflag:s26], $0x2000  }
0x11a: {  	[sflag:s26] =	ssyncset.done $0x0  }
0x11b: {  	s31 =	rddreg [dreg:$0xe];
	[sflag:s26] =	ssyncadd.s32 $0xFFFFE000  }
0x11c: {  	[hbm4b:s31+s2] =	stream.linear.scatter [tilespmem:s18], [sflag:$0xA], $0x2000, $0x38;
	[tilespmem:$0x10E48] =	vst v63  }
0x11d: {  	_ =	swait.ge [sflag:s28], $0x2000  }
0x11e: {  	[sflag:s28] =	ssyncset.done $0x0  }
0x11f: {  	[sflag:s28] =	ssyncadd.s32 $0xFFFFE000  }
0x120: {  	_ =	swait.ge [sflag:s28], $0x2000  }
0x121: {  	[sflag:s28] =	ssyncset.done $0x0  }
0x122: {  	[sflag:s28] =	ssyncadd.s32 $0xFFFFE000  }
0x123: {  	_ =	swait.ge [sflag:s28], $0x2000  }
0x124: {  	[sflag:s28] =	ssyncset.done $0x0  }
0x125: {  	[sflag:s28] =	ssyncadd.s32 $0xFFFFE000  }
0x126: {  	_ =	swait.ge [sflag:s28], $0x2000  }
0x127: {  	[sflag:s28] =	ssyncset.done $0x0  }
0x128: {  	[sflag:s28] =	ssyncadd.s32 $0xFFFFE000  }
0x129: {  	_ =	swait.ge [sflag:s28], $0x2000  }
0x12a: {  	[sflag:s28] =	ssyncset.done $0x0  }
0x12b: {  	[sflag:s28] =	ssyncadd.s32 $0xFFFFE000  }
0x12c: {  	_ =	swait.ge [sflag:s28], $0x2000  }
0x12d: {  	[sflag:s28] =	ssyncset.done $0x0  }
0x12e: {  	s4 =	sadd.s32 $0xFFFFFFFF, s4;
	[sflag:s28] =	ssyncadd.s32 $0xFFFFE000  }
0x12f: {  	p1 =	sne.s32 s4, $0x0;
	_ =	swait.ge [sflag:s28], $0x2000  }
.Ltmp0:
0x130: {  	[sflag:s28] =	ssyncset.done $0x0;
	(pc) =	sbr.rel @p1 .LBB2_1-.Ltmp0, $4  }
0x131: {  	[sflag:s28] =	ssyncadd.s32 $0xFFFFE000  }
0x132: {  	_ =	swait.ge [sflag:s28], $0x2000  }
0x133: {  	[sflag:s28] =	ssyncset.done $0x0  }
0x134: {  	[sflag:s28] =	ssyncadd.s32 $0xFFFFE000  }
0x135: {  	_ =	sfence.sel $0x180000  }
0x136: {  	[bflag:$0x0] =	sbarrier.arrive $0xFFFF  }
0x137: {  	_ =	strace $0x90000047  }
0x138: {  	[bflag:$0x2] =	sbarrier.arrive $0xFFFF  }
0x139: {  	s0 =	rddreg [dreg:$0x4]  }
0x13a: {  	s0 =	sadd.s32 @!p0 $0x100000, s0  }
0x13b: {  	[sflag:s0] =	ssyncadd.tile.s32 @!p0 $0x1;
	_ =	shalt  }
.Lfunc_end2:
_tile_overlayer_lowered:
.L_overlay_start_2:
0x13c: {  	(tag) =	ssettag $0x2  }
0x13d: {  	s0 =	rddreg [dreg:$0x0];
	s2 =	stileid.u32  }
0x13e: {  	s1 =	rddreg [dreg:$0x1];
	p0 =	sne.s32 s2, $0x0  }
0x13f: {  	s3 =	rddreg [dreg:$0x2];
	[bflag:$0x3] =	sbarrier.arrive $0xFFFF;
	s2 =	simm.s32 @!p0 $0x1C0C  }
0x140: {  	[timem:s3], [sflag:s2] =	dma.local @!p0 [hbm:s0], s1  }
0x141: {  	s0 =	simm.s32 @!p0 $0xC  }
0x142: {  	_ =	swait.ge @!p0 [sflag:s0], s1  }
0x143: {  	s1 =	ssub.s32 @!p0 $0x0, s1;
	[sflag:s0] =	ssyncset.done @!p0 $0x0  }
0x144: {  	[sflag:s0] =	ssyncadd.s32 @!p0 s1  }
0x145: {  	[bflag:$0x3] =	sbarrier.arrive $0xFFFF  }
0x146: {  	_ =	shalt  }

</sc_bundles>
